<compile_context>
chip_gen: v7x
topology: tpu7x:2x2x1
jax: 0.10.2.dev20260603
libtpu: 0.0.44.dev20260713+nightly
codegen_flags: <defaults>
</compile_context>

<pallas_src>
import jax
import jax.numpy as jnp
from jax import lax
from jax.experimental import pallas as pl
from jax.experimental.pallas import tpu as pltpu
from jax.experimental.pallas import tpu_sc as plsc

N = 10000
D = 128
E = 320000

NC = 2
NS = 16
NW = NC * NS

CB = 80
ROWS_TOTAL = E // CB
ROWS_PER_TILE = ROWS_TOTAL // NW
KBUF = 3
WLEN = 10112
N_CHUNK = 624
N_TAIL = N - NS * N_CHUNK

_sc_mesh = plsc.VectorSubcoreMesh(core_axis_name="core", subcore_axis_name="subcore")


@jax.jit
def _segment_sum_sc(x, ei, zeros_blk):

    @pl.kernel(
        out_type=jax.ShapeDtypeStruct((NC, N, D), jnp.float32),
        mesh=_sc_mesh,
        scratch_types=[
            pltpu.VMEM((WLEN,), jnp.int32),
            pltpu.VMEM((WLEN,), jnp.int32),
            pltpu.VMEM((KBUF, CB, D), jnp.float32),
            pltpu.VMEM_SHARED((N, D), jnp.float32),
            [pltpu.SemaphoreType.DMA] * KBUF,
            [pltpu.SemaphoreType.DMA] * KBUF,
        ],
        compiler_params=pltpu.CompilerParams(use_tc_tiling_on_sc=True),
    )
    def seg_sum(x_hbm, ei_hbm, zeros_hbm, out_hbm,
                src_v, dst_v, rows_v, acc, gsems, ssems):
        c = lax.axis_index("core")
        s = lax.axis_index("subcore")
        gid = c * NS + s

        pltpu.sync_copy(zeros_hbm.at[pl.ds(0, N_CHUNK)],
                        acc.at[pl.ds(s * N_CHUNK, N_CHUNK)])

        @pl.when(s == 0)
        def _():
            pltpu.sync_copy(zeros_hbm.at[pl.ds(0, N_TAIL)],
                            acc.at[pl.ds(NS * N_CHUNK, N_TAIL)])

        ept = ROWS_PER_TILE * CB
        start = gid * ept
        astart = (start // 128) * 128
        off = start - astart
        pltpu.sync_copy(ei_hbm.at[0, pl.ds(astart, WLEN)], src_v)
        pltpu.sync_copy(ei_hbm.at[1, pl.ds(astart, WLEN)], dst_v)
        plsc.subcore_barrier()

        def fire_gather(j, m):
            pltpu.async_copy(x_hbm.at[src_v.at[pl.ds(off + j * CB, CB)]],
                             rows_v.at[m], gsems[m])

        def wait_gather(j, m):
            pltpu.make_async_copy(x_hbm.at[src_v.at[pl.ds(off + j * CB, CB)]],
                                  rows_v.at[m], gsems[m]).wait()

        def fire_scatter(j, m):
            pltpu.async_copy(rows_v.at[m],
                             acc.at[dst_v.at[pl.ds(off + j * CB, CB)]],
                             ssems[m], add=True)

        def wait_scatter(j, m):
            pltpu.make_async_copy(rows_v.at[m],
                                  acc.at[dst_v.at[pl.ds(off + j * CB, CB)]],
                                  ssems[m]).wait()

        ROWS = ROWS_PER_TILE
        main_end = KBUF - 1 + ((ROWS - KBUF) // KBUF) * KBUF

        fire_gather(0, 0)
        fire_gather(1, 1 % KBUF)
        for t in range(KBUF - 1):
            if t + 2 <= KBUF - 1:
                fire_gather(t + 2, (t + 2) % KBUF)
            wait_gather(t, t % KBUF)
            fire_scatter(t, t % KBUF)

        @pl.loop(KBUF - 1, main_end, step=KBUF)
        def _(j):
            for p in range(KBUF):
                t = j + p
                mp = (KBUF - 1 + p) % KBUF
                wait_scatter(t - (KBUF - 1), (mp + 1) % KBUF)
                fire_gather(t + 1, (mp + 1) % KBUF)
                wait_gather(t, mp)
                fire_scatter(t, mp)

        for t in range(main_end, ROWS):
            m = t % KBUF
            wait_scatter(t - (KBUF - 1), (m + 1) % KBUF)
            if t + 1 < ROWS:
                fire_gather(t + 1, (m + 1) % KBUF)
            wait_gather(t, m)
            fire_scatter(t, m)
        for t in range(ROWS - KBUF + 1, ROWS):
            wait_scatter(t, t % KBUF)

        plsc.subcore_barrier()
        pltpu.sync_copy(acc.at[pl.ds(s * N_CHUNK, N_CHUNK)],
                        out_hbm.at[c, pl.ds(s * N_CHUNK, N_CHUNK)])

        @pl.when(s == 0)
        def _():
            pltpu.sync_copy(acc.at[pl.ds(NS * N_CHUNK, N_TAIL)],
                            out_hbm.at[c, pl.ds(NS * N_CHUNK, N_TAIL)])

    return seg_sum(x, ei, zeros_blk)


BLK = 5000
GRID = N // BLK


def _fused_body(x_ref, a0_ref, a1_ref, w1_ref, b1_ref, w2_ref, b2_ref,
                gamma_ref, beta_ref, o_ref, h2_scr, acc_ref):
    i = pl.program_id(0)

    @pl.when(i < GRID)
    def _():
        h = x_ref[...] + a0_ref[0] + a1_ref[0]
        t = jnp.dot(h, w1_ref[...], preferred_element_type=jnp.float32)
        t = jnp.maximum(t + b1_ref[...][None, :], 0.0)
        h2 = jnp.dot(t, w2_ref[...], preferred_element_type=jnp.float32)
        h2 = h2 + b2_ref[...][None, :]
        h2_scr[pl.ds(i * BLK, BLK), :] = h2

        @pl.when(i == 0)
        def _():
            acc_ref[...] = jnp.zeros_like(acc_ref)

        acc_ref[0:1, :] += jnp.sum(h2, axis=0, keepdims=True)
        acc_ref[1:2, :] += jnp.sum(h2 * h2, axis=0, keepdims=True)

    @pl.when(i >= GRID)
    def _():
        mean = acc_ref[0:1, :] * (1.0 / N)
        var = acc_ref[1:2, :] * (1.0 / N) - mean * mean
        inv = lax.rsqrt(var + 1e-5)
        scale = gamma_ref[...][None, :] * inv
        shift = beta_ref[...][None, :] - mean * scale
        h2 = h2_scr[pl.ds((i - GRID) * BLK, BLK), :]
        o_ref[...] = h2 * scale + shift + x_ref[...]


def kernel(x, edge_index, W1, b1, W2, b2, gamma, beta):
    ei = edge_index.astype(jnp.int32)
    zeros_blk = jnp.zeros((N_CHUNK, D), jnp.float32)

    partials = _segment_sum_sc(x, ei, zeros_blk)

    x_spec = pl.BlockSpec(
        (BLK, D), lambda i: (jnp.where(i < GRID, i, i - GRID), 0))
    a_spec = lambda p: pl.BlockSpec(
        (1, BLK, D), lambda i: (p, jnp.where(i < GRID, i, GRID - 1), 0))
    mat_spec = pl.BlockSpec((D, D), lambda i: (0, 0))
    vec_spec = pl.BlockSpec((D,), lambda i: (0,))
    o_spec = pl.BlockSpec(
        (BLK, D), lambda i: (jnp.where(i < GRID, 0, i - GRID), 0))

    out = pl.pallas_call(
        _fused_body,
        grid=(2 * GRID,),
        in_specs=[x_spec, a_spec(0), a_spec(1), mat_spec, vec_spec,
                  mat_spec, vec_spec, vec_spec, vec_spec],
        out_specs=o_spec,
        out_shape=jax.ShapeDtypeStruct((N, D), jnp.float32),
        scratch_shapes=[pltpu.VMEM((N, D), jnp.float32),
                        pltpu.VMEM((2, D), jnp.float32)],
    )(x, partials, partials, W1, b1, W2, b2, gamma, beta)

    return out

# --- scband reference (transcript-rebuilt; emitter-appended) ---
"""Pipeline reference for scband-ginlayer-22196390986098 (READ-ONLY COPY).

The authoritative reference and input builder live on the scoring server;
editing this copy changes nothing except your own understanding.
"""

import jax, jax.numpy as jnp
import numpy as np

N = 10000
E = 320000
D = 128
H = 128

def setup_inputs(seed: int = 0) -> dict:
    key = jax.random.key(seed)
    ks = jax.random.split(key, 9)
    x = jax.random.normal(ks[0], (N, D), dtype=jnp.float32)
    edge_index = jax.random.randint(ks[1], (2, E), 0, N, dtype=jnp.int64)
    s1 = 1.0 / np.sqrt(D)
    s2 = 1.0 / np.sqrt(H)
    W1 = jax.random.uniform(ks[2], (D, H), dtype=jnp.float32, minval=-s1, maxval=s1)
    b1 = jax.random.uniform(ks[3], (H,), dtype=jnp.float32, minval=-s1, maxval=s1)
    W2 = jax.random.uniform(ks[4], (H, D), dtype=jnp.float32, minval=-s2, maxval=s2)
    b2 = jax.random.uniform(ks[5], (D,), dtype=jnp.float32, minval=-s2, maxval=s2)
    gamma = jnp.ones((D,), dtype=jnp.float32)
    beta = jnp.zeros((D,), dtype=jnp.float32)
    return {"x": x, "edge_index": edge_index, "W1": W1, "b1": b1, "W2": W2, "b2": b2, "gamma": gamma, "beta": beta}

def reference(x, edge_index, W1, b1, W2, b2, gamma, beta):
    src = edge_index[0]
    dst = edge_index[1]
    # GINConv aggregation: sum of neighbor (source) features at destination nodes
    msgs = jnp.take(x, src, axis=0)
    agg = jax.ops.segment_sum(msgs, dst, num_segments=N)
    eps = 0.0  # train_eps=False, initial eps=0
    h = (1.0 + eps) * x + agg
    # MLP: Linear -> ReLU -> Linear
    h = jnp.maximum(h @ W1 + b1, 0.0)
    h = h @ W2 + b2
    # BatchNorm1d (training-mode batch statistics)
    mean = jnp.mean(h, axis=0)
    var = jnp.var(h, axis=0)
    h = (h - mean) / jnp.sqrt(var + 1e-5) * gamma + beta
    # residual
    h = h + x
    # dropout p=0.0 -> identity
    return h

if __name__ == "__main__":
    import jax
    _d = setup_inputs()
    print(jax.jit(kernel)(*tuple(_d.values())))

</pallas_src>

<mosaic_0001>
#map = affine_map<(d0, d1) -> (0, 0)>
#map1 = affine_map<(d0, d1) -> (0, 0, 0)>
module attributes {stable_mosaic.version = 14 : i64} {
  func.func @seg_sum(%arg0: i32, %arg1: i32, %arg2: memref<10000x128xf32, #tpu.memory_space<hbm>>, %arg3: memref<2x320000xi32, #tpu.memory_space<hbm>>, %arg4: memref<624x128xf32, #tpu.memory_space<hbm>>, %arg5: memref<2x10000x128xf32, #tpu.memory_space<hbm>>, %arg6: memref<10112xi32, #tpu.memory_space<vmem>>, %arg7: memref<10112xi32, #tpu.memory_space<vmem>>, %arg8: memref<3x80x128xf32, #tpu.memory_space<vmem>>, %arg9: memref<10000x128xf32, #tpu.memory_space<vmem_shared>>, %arg10: memref<!tpu.dma_semaphore, #tpu.memory_space<semaphore_mem>>, %arg11: memref<!tpu.dma_semaphore, #tpu.memory_space<semaphore_mem>>, %arg12: memref<!tpu.dma_semaphore, #tpu.memory_space<semaphore_mem>>, %arg13: memref<!tpu.dma_semaphore, #tpu.memory_space<semaphore_mem>>, %arg14: memref<!tpu.dma_semaphore, #tpu.memory_space<semaphore_mem>>, %arg15: memref<!tpu.dma_semaphore, #tpu.memory_space<semaphore_mem>>) attributes {dimension_semantics = [#tpu.dimension_semantics<core_parallel>, #tpu.dimension_semantics<subcore_parallel>], iteration_bounds = array<i64: 2, 16>, scalar_prefetch = 0 : i64, scratch_operands = 10 : i64, tpu.core_type = #tpu.core_type<sc_vector_subcore>, window_params = [{transform_indices = #map}, {transform_indices = #map}, {transform_indices = #map}, {transform_indices = #map1}]} {
    %mul3A = arith.constant 16 : i32
    %mul3A_0 = arith.muli %arg0, %mul3A : i32
    %add3A = arith.addi %mul3A_0, %arg1 : i32
    %mul3A_1 = arith.constant 624 : i32
    %mul3A_2 = arith.muli %arg1, %mul3A_1 : i32
    "tpu.region"() ({
      %run_scoped3A_259 = tpu.sem_alloc : memref<!tpu.dma_semaphore, #tpu.memory_space<semaphore_mem>>
      %dma_start3A_260 = arith.constant 0 : i32
      %dma_start3A_261 = tpu.memref_slice %arg9[%mul3A_2, %dma_start3A_260] : memref<10000x128xf32, #tpu.memory_space<vmem_shared>> -> memref<624x128xf32, #tpu.memory_space<vmem_shared>>
      %dma_start3A_262 = arith.constant 0 : i32
      %dma_start3A_263 = arith.constant 0 : i32
      %dma_start3A_264 = tpu.memref_slice %arg4[%dma_start3A_262, %dma_start3A_263] : memref<624x128xf32, #tpu.memory_space<hbm>> -> memref<624x128xf32, #tpu.memory_space<hbm>>
      tpu.enqueue_dma source(%dma_start3A_264 : memref<624x128xf32, #tpu.memory_space<hbm>>) target(%dma_start3A_261 : memref<624x128xf32, #tpu.memory_space<vmem_shared>>) target_semaphore(%run_scoped3A_259 : memref<!tpu.dma_semaphore, #tpu.memory_space<semaphore_mem>>)
      %dma_wait3A_265 = arith.constant 0 : i32
      %dma_wait3A_266 = tpu.memref_slice %arg9[%mul3A_2, %dma_wait3A_265] : memref<10000x128xf32, #tpu.memory_space<vmem_shared>> -> memref<624x128xf32, #tpu.memory_space<vmem_shared>>
      %dma_wait3A_267 = arith.constant 0 : i32
      %dma_wait3A_268 = arith.constant 0 : i32
      %dma_wait3A_269 = tpu.memref_slice %arg4[%dma_wait3A_267, %dma_wait3A_268] : memref<624x128xf32, #tpu.memory_space<hbm>> -> memref<624x128xf32, #tpu.memory_space<hbm>>
      tpu.wait_dma2 semaphore(%run_scoped3A_259 : memref<!tpu.dma_semaphore, #tpu.memory_space<semaphore_mem>>) src(%dma_wait3A_269 : memref<624x128xf32, #tpu.memory_space<hbm>>) dst(%dma_wait3A_266 : memref<624x128xf32, #tpu.memory_space<vmem_shared>>)
      tpu.yield
    }) : () -> ()
    %eq3A = arith.constant 0 : i32
    %eq3A_3 = arith.cmpi eq, %arg1, %eq3A : i32
    %convert_element_type3A = arith.extui %eq3A_3 : i1 to i32
    %cond3A = arith.constant 0 : i32
    %cond3A_4 = arith.cmpi ne, %convert_element_type3A, %cond3A : i32
    scf.if %cond3A_4 {
      "tpu.region"() ({
        %run_scoped3A_259 = tpu.sem_alloc : memref<!tpu.dma_semaphore, #tpu.memory_space<semaphore_mem>>
        %dma_start3A_260 = arith.constant 9984 : i32
        %dma_start3A_261 = arith.constant 0 : i32
        %dma_start3A_262 = tpu.memref_slice %arg9[%dma_start3A_260, %dma_start3A_261] : memref<10000x128xf32, #tpu.memory_space<vmem_shared>> -> memref<16x128xf32, #tpu.memory_space<vmem_shared>>
        %dma_start3A_263 = arith.constant 0 : i32
        %dma_start3A_264 = arith.constant 0 : i32
        %dma_start3A_265 = tpu.memref_slice %arg4[%dma_start3A_263, %dma_start3A_264] : memref<624x128xf32, #tpu.memory_space<hbm>> -> memref<16x128xf32, #tpu.memory_space<hbm>>
        tpu.enqueue_dma source(%dma_start3A_265 : memref<16x128xf32, #tpu.memory_space<hbm>>) target(%dma_start3A_262 : memref<16x128xf32, #tpu.memory_space<vmem_shared>>) target_semaphore(%run_scoped3A_259 : memref<!tpu.dma_semaphore, #tpu.memory_space<semaphore_mem>>)
        %dma_wait3A_266 = arith.constant 9984 : i32
        %dma_wait3A_267 = arith.constant 0 : i32
        %dma_wait3A_268 = tpu.memref_slice %arg9[%dma_wait3A_266, %dma_wait3A_267] : memref<10000x128xf32, #tpu.memory_space<vmem_shared>> -> memref<16x128xf32, #tpu.memory_space<vmem_shared>>
        %dma_wait3A_269 = arith.constant 0 : i32
        %dma_wait3A_270 = arith.constant 0 : i32
        %dma_wait3A_271 = tpu.memref_slice %arg4[%dma_wait3A_269, %dma_wait3A_270] : memref<624x128xf32, #tpu.memory_space<hbm>> -> memref<16x128xf32, #tpu.memory_space<hbm>>
        tpu.wait_dma2 semaphore(%run_scoped3A_259 : memref<!tpu.dma_semaphore, #tpu.memory_space<semaphore_mem>>) src(%dma_wait3A_271 : memref<16x128xf32, #tpu.memory_space<hbm>>) dst(%dma_wait3A_268 : memref<16x128xf32, #tpu.memory_space<vmem_shared>>)
        tpu.yield
      }) : () -> ()
    } else {
    }
    %mul3A_5 = arith.constant 10000 : i32
    %mul3A_6 = arith.muli %add3A, %mul3A_5 : i32
    %jit3A = arith.constant 128 : i32
    %div3A = arith.divsi %mul3A_6, %jit3A : i32
    %sign3A = arith.constant 0 : i32
    %sign3A_7 = arith.cmpi sgt, %mul3A_6, %sign3A : i32
    %sign3A_8 = arith.extui %sign3A_7 : i1 to i32
    %sign3A_9 = arith.constant 0 : i32
    %sign3A_10 = arith.cmpi slt, %mul3A_6, %sign3A_9 : i32
    %sign3A_11 = arith.extui %sign3A_10 : i1 to i32
    %sign3A_12 = arith.subi %sign3A_8, %sign3A_11 : i32
    %sign3A_13 = arith.constant 0 : i32
    %sign3A_14 = arith.cmpi sgt, %jit3A, %sign3A_13 : i32
    %sign3A_15 = arith.extui %sign3A_14 : i1 to i32
    %sign3A_16 = arith.constant 0 : i32
    %sign3A_17 = arith.cmpi slt, %jit3A, %sign3A_16 : i32
    %sign3A_18 = arith.extui %sign3A_17 : i1 to i32
    %sign3A_19 = arith.subi %sign3A_15, %sign3A_18 : i32
    %ne3A = arith.cmpi ne, %sign3A_12, %sign3A_19 : i32
    %rem3A = arith.remsi %mul3A_6, %jit3A : i32
    %ne3A_20 = arith.constant 0 : i32
    %ne3A_21 = arith.cmpi ne, %rem3A, %ne3A_20 : i32
    %and3A = arith.andi %ne3A, %ne3A_21 : i1
    %sub3A = arith.constant 1 : i32
    %sub3A_22 = arith.subi %div3A, %sub3A : i32
    %select_n3A = arith.select %and3A, %sub3A_22, %div3A : i32
    %mul3A_23 = arith.constant 128 : i32
    %mul3A_24 = arith.muli %select_n3A, %mul3A_23 : i32
    %sub3A_25 = arith.subi %mul3A_6, %mul3A_24 : i32
    %run_scoped3A = arith.constant 0 : i32
    "tpu.region"() ({
      %run_scoped3A_259 = tpu.sem_alloc : memref<!tpu.dma_semaphore, #tpu.memory_space<semaphore_mem>>
      %dma_start3A_260 = tpu.memref_slice %arg3[%run_scoped3A, %mul3A_24] : memref<2x320000xi32, #tpu.memory_space<hbm>> -> memref<1x10112xi32, #tpu.memory_space<hbm>>
      %dma_start3A_261 = tpu.memref_squeeze %dma_start3A_260 : memref<1x10112xi32, #tpu.memory_space<hbm>> -> memref<10112xi32, #tpu.memory_space<hbm>>
      %dma_start3A_262 = tpu.memref_slice %arg3[%run_scoped3A, %mul3A_24] : memref<2x320000xi32, #tpu.memory_space<hbm>> -> memref<1x10112xi32, #tpu.memory_space<hbm>>
      %dma_start3A_263 = tpu.memref_squeeze %dma_start3A_262 : memref<1x10112xi32, #tpu.memory_space<hbm>> -> memref<10112xi32, #tpu.memory_space<hbm>>
      tpu.enqueue_dma source(%dma_start3A_263 : memref<10112xi32, #tpu.memory_space<hbm>>) target(%arg6 : memref<10112xi32, #tpu.memory_space<vmem>>) target_semaphore(%run_scoped3A_259 : memref<!tpu.dma_semaphore, #tpu.memory_space<semaphore_mem>>)
      %dma_wait3A_264 = tpu.memref_slice %arg3[%run_scoped3A, %mul3A_24] : memref<2x320000xi32, #tpu.memory_space<hbm>> -> memref<1x10112xi32, #tpu.memory_space<hbm>>
      %dma_wait3A_265 = tpu.memref_squeeze %dma_wait3A_264 : memref<1x10112xi32, #tpu.memory_space<hbm>> -> memref<10112xi32, #tpu.memory_space<hbm>>
      %dma_wait3A_266 = tpu.memref_slice %arg3[%run_scoped3A, %mul3A_24] : memref<2x320000xi32, #tpu.memory_space<hbm>> -> memref<1x10112xi32, #tpu.memory_space<hbm>>
      %dma_wait3A_267 = tpu.memref_squeeze %dma_wait3A_266 : memref<1x10112xi32, #tpu.memory_space<hbm>> -> memref<10112xi32, #tpu.memory_space<hbm>>
      tpu.wait_dma2 semaphore(%run_scoped3A_259 : memref<!tpu.dma_semaphore, #tpu.memory_space<semaphore_mem>>) src(%dma_wait3A_267 : memref<10112xi32, #tpu.memory_space<hbm>>) dst(%arg6 : memref<10112xi32, #tpu.memory_space<vmem>>)
      tpu.yield
    }) : () -> ()
    %run_scoped3A_26 = arith.constant 1 : i32
    "tpu.region"() ({
      %run_scoped3A_259 = tpu.sem_alloc : memref<!tpu.dma_semaphore, #tpu.memory_space<semaphore_mem>>
      %dma_start3A_260 = tpu.memref_slice %arg3[%run_scoped3A_26, %mul3A_24] : memref<2x320000xi32, #tpu.memory_space<hbm>> -> memref<1x10112xi32, #tpu.memory_space<hbm>>
      %dma_start3A_261 = tpu.memref_squeeze %dma_start3A_260 : memref<1x10112xi32, #tpu.memory_space<hbm>> -> memref<10112xi32, #tpu.memory_space<hbm>>
      %dma_start3A_262 = tpu.memref_slice %arg3[%run_scoped3A_26, %mul3A_24] : memref<2x320000xi32, #tpu.memory_space<hbm>> -> memref<1x10112xi32, #tpu.memory_space<hbm>>
      %dma_start3A_263 = tpu.memref_squeeze %dma_start3A_262 : memref<1x10112xi32, #tpu.memory_space<hbm>> -> memref<10112xi32, #tpu.memory_space<hbm>>
      tpu.enqueue_dma source(%dma_start3A_263 : memref<10112xi32, #tpu.memory_space<hbm>>) target(%arg7 : memref<10112xi32, #tpu.memory_space<vmem>>) target_semaphore(%run_scoped3A_259 : memref<!tpu.dma_semaphore, #tpu.memory_space<semaphore_mem>>)
      %dma_wait3A_264 = tpu.memref_slice %arg3[%run_scoped3A_26, %mul3A_24] : memref<2x320000xi32, #tpu.memory_space<hbm>> -> memref<1x10112xi32, #tpu.memory_space<hbm>>
      %dma_wait3A_265 = tpu.memref_squeeze %dma_wait3A_264 : memref<1x10112xi32, #tpu.memory_space<hbm>> -> memref<10112xi32, #tpu.memory_space<hbm>>
      %dma_wait3A_266 = tpu.memref_slice %arg3[%run_scoped3A_26, %mul3A_24] : memref<2x320000xi32, #tpu.memory_space<hbm>> -> memref<1x10112xi32, #tpu.memory_space<hbm>>
      %dma_wait3A_267 = tpu.memref_squeeze %dma_wait3A_266 : memref<1x10112xi32, #tpu.memory_space<hbm>> -> memref<10112xi32, #tpu.memory_space<hbm>>
      tpu.wait_dma2 semaphore(%run_scoped3A_259 : memref<!tpu.dma_semaphore, #tpu.memory_space<semaphore_mem>>) src(%dma_wait3A_267 : memref<10112xi32, #tpu.memory_space<hbm>>) dst(%arg7 : memref<10112xi32, #tpu.memory_space<vmem>>)
      tpu.yield
    }) : () -> ()
    %barrier3A = arith.constant 0 : index
    tpu.barrier barrier_id(%barrier3A)
    %add3A_27 = arith.constant 0 : i32
    %add3A_28 = arith.addi %sub3A_25, %add3A_27 : i32
    %dma_start3A = arith.constant 0 : i32
    %dma_start3A_29 = arith.constant 0 : i32
    %dma_start3A_30 = arith.constant 0 : i32
    %dma_start3A_31 = tpu.memref_slice %arg8[%dma_start3A, %dma_start3A_29, %dma_start3A_30] : memref<3x80x128xf32, #tpu.memory_space<vmem>> -> memref<1x80x128xf32, #tpu.memory_space<vmem>>
    %dma_start3A_32 = tpu.memref_squeeze %dma_start3A_31 : memref<1x80x128xf32, #tpu.memory_space<vmem>> -> memref<80x128xf32, #tpu.memory_space<vmem>>
    %dma_start3A_33 = tpu.memref_slice %arg6[%add3A_28] : memref<10112xi32, #tpu.memory_space<vmem>> -> memref<80xi32, #tpu.memory_space<vmem>>
    %dma_start3A_34 = arith.constant 0 : i32
    %dma_start3A_35 = arith.constant 0 : i32
    %dma_start3A_36 = tpu.memref_slice %arg2[%dma_start3A_34, %dma_start3A_35] : memref<10000x128xf32, #tpu.memory_space<hbm>> -> memref<10000x128xf32, #tpu.memory_space<hbm>>
    tpu.enqueue_indirect_dma source(%dma_start3A_36 : memref<10000x128xf32, #tpu.memory_space<hbm>>) target(%dma_start3A_32 : memref<80x128xf32, #tpu.memory_space<vmem>>) offsets(%dma_start3A_33 : memref<80xi32, #tpu.memory_space<vmem>>) semaphore(%arg10 : memref<!tpu.dma_semaphore, #tpu.memory_space<semaphore_mem>>)
    %add3A_37 = arith.constant 80 : i32
    %add3A_38 = arith.addi %sub3A_25, %add3A_37 : i32
    %dma_start3A_39 = arith.constant 1 : i32
    %dma_start3A_40 = arith.constant 0 : i32
    %dma_start3A_41 = arith.constant 0 : i32
    %dma_start3A_42 = tpu.memref_slice %arg8[%dma_start3A_39, %dma_start3A_40, %dma_start3A_41] : memref<3x80x128xf32, #tpu.memory_space<vmem>> -> memref<1x80x128xf32, #tpu.memory_space<vmem>>
    %dma_start3A_43 = tpu.memref_squeeze %dma_start3A_42 : memref<1x80x128xf32, #tpu.memory_space<vmem>> -> memref<80x128xf32, #tpu.memory_space<vmem>>
    %dma_start3A_44 = tpu.memref_slice %arg6[%add3A_38] : memref<10112xi32, #tpu.memory_space<vmem>> -> memref<80xi32, #tpu.memory_space<vmem>>
    %dma_start3A_45 = arith.constant 0 : i32
    %dma_start3A_46 = arith.constant 0 : i32
    %dma_start3A_47 = tpu.memref_slice %arg2[%dma_start3A_45, %dma_start3A_46] : memref<10000x128xf32, #tpu.memory_space<hbm>> -> memref<10000x128xf32, #tpu.memory_space<hbm>>
    tpu.enqueue_indirect_dma source(%dma_start3A_47 : memref<10000x128xf32, #tpu.memory_space<hbm>>) target(%dma_start3A_43 : memref<80x128xf32, #tpu.memory_space<vmem>>) offsets(%dma_start3A_44 : memref<80xi32, #tpu.memory_space<vmem>>) semaphore(%arg11 : memref<!tpu.dma_semaphore, #tpu.memory_space<semaphore_mem>>)
    %add3A_48 = arith.constant 160 : i32
    %add3A_49 = arith.addi %sub3A_25, %add3A_48 : i32
    %dma_start3A_50 = arith.constant 2 : i32
    %dma_start3A_51 = arith.constant 0 : i32
    %dma_start3A_52 = arith.constant 0 : i32
    %dma_start3A_53 = tpu.memref_slice %arg8[%dma_start3A_50, %dma_start3A_51, %dma_start3A_52] : memref<3x80x128xf32, #tpu.memory_space<vmem>> -> memref<1x80x128xf32, #tpu.memory_space<vmem>>
    %dma_start3A_54 = tpu.memref_squeeze %dma_start3A_53 : memref<1x80x128xf32, #tpu.memory_space<vmem>> -> memref<80x128xf32, #tpu.memory_space<vmem>>
    %dma_start3A_55 = tpu.memref_slice %arg6[%add3A_49] : memref<10112xi32, #tpu.memory_space<vmem>> -> memref<80xi32, #tpu.memory_space<vmem>>
    %dma_start3A_56 = arith.constant 0 : i32
    %dma_start3A_57 = arith.constant 0 : i32
    %dma_start3A_58 = tpu.memref_slice %arg2[%dma_start3A_56, %dma_start3A_57] : memref<10000x128xf32, #tpu.memory_space<hbm>> -> memref<10000x128xf32, #tpu.memory_space<hbm>>
    tpu.enqueue_indirect_dma source(%dma_start3A_58 : memref<10000x128xf32, #tpu.memory_space<hbm>>) target(%dma_start3A_54 : memref<80x128xf32, #tpu.memory_space<vmem>>) offsets(%dma_start3A_55 : memref<80xi32, #tpu.memory_space<vmem>>) semaphore(%arg12 : memref<!tpu.dma_semaphore, #tpu.memory_space<semaphore_mem>>)
    %add3A_59 = arith.constant 0 : i32
    %add3A_60 = arith.addi %sub3A_25, %add3A_59 : i32
    %dma_wait3A = arith.constant 0 : i32
    %dma_wait3A_61 = arith.constant 0 : i32
    %dma_wait3A_62 = arith.constant 0 : i32
    %dma_wait3A_63 = tpu.memref_slice %arg8[%dma_wait3A, %dma_wait3A_61, %dma_wait3A_62] : memref<3x80x128xf32, #tpu.memory_space<vmem>> -> memref<1x80x128xf32, #tpu.memory_space<vmem>>
    %dma_wait3A_64 = tpu.memref_squeeze %dma_wait3A_63 : memref<1x80x128xf32, #tpu.memory_space<vmem>> -> memref<80x128xf32, #tpu.memory_space<vmem>>
    %dma_wait3A_65 = tpu.memref_slice %arg6[%add3A_60] : memref<10112xi32, #tpu.memory_space<vmem>> -> memref<80xi32, #tpu.memory_space<vmem>>
    %dma_wait3A_66 = arith.constant 0 : i32
    %dma_wait3A_67 = arith.constant 0 : i32
    %dma_wait3A_68 = tpu.memref_slice %arg2[%dma_wait3A_66, %dma_wait3A_67] : memref<10000x128xf32, #tpu.memory_space<hbm>> -> memref<10000x128xf32, #tpu.memory_space<hbm>>
    tpu.wait_indirect_dma semaphore(%arg10 : memref<!tpu.dma_semaphore, #tpu.memory_space<semaphore_mem>>) src(%dma_wait3A_68 : memref<10000x128xf32, #tpu.memory_space<hbm>>) dst(%dma_wait3A_64 : memref<80x128xf32, #tpu.memory_space<vmem>>)
    %add3A_69 = arith.constant 0 : i32
    %add3A_70 = arith.addi %sub3A_25, %add3A_69 : i32
    %dma_start3A_71 = arith.constant 0 : i32
    %dma_start3A_72 = arith.constant 0 : i32
    %dma_start3A_73 = arith.constant 0 : i32
    %dma_start3A_74 = tpu.memref_slice %arg8[%dma_start3A_71, %dma_start3A_72, %dma_start3A_73] : memref<3x80x128xf32, #tpu.memory_space<vmem>> -> memref<1x80x128xf32, #tpu.memory_space<vmem>>
    %dma_start3A_75 = tpu.memref_squeeze %dma_start3A_74 : memref<1x80x128xf32, #tpu.memory_space<vmem>> -> memref<80x128xf32, #tpu.memory_space<vmem>>
    %dma_start3A_76 = tpu.memref_slice %arg7[%add3A_70] : memref<10112xi32, #tpu.memory_space<vmem>> -> memref<80xi32, #tpu.memory_space<vmem>>
    %dma_start3A_77 = arith.constant 0 : i32
    %dma_start3A_78 = arith.constant 0 : i32
    %dma_start3A_79 = tpu.memref_slice %arg9[%dma_start3A_77, %dma_start3A_78] : memref<10000x128xf32, #tpu.memory_space<vmem_shared>> -> memref<10000x128xf32, #tpu.memory_space<vmem_shared>>
    tpu.enqueue_indirect_dma source(%dma_start3A_75 : memref<80x128xf32, #tpu.memory_space<vmem>>) target(%dma_start3A_79 : memref<10000x128xf32, #tpu.memory_space<vmem_shared>>) offsets(%dma_start3A_76 : memref<80xi32, #tpu.memory_space<vmem>>) semaphore(%arg13 : memref<!tpu.dma_semaphore, #tpu.memory_space<semaphore_mem>>) {add = true}
    %add3A_80 = arith.constant 80 : i32
    %add3A_81 = arith.addi %sub3A_25, %add3A_80 : i32
    %dma_wait3A_82 = arith.constant 1 : i32
    %dma_wait3A_83 = arith.constant 0 : i32
    %dma_wait3A_84 = arith.constant 0 : i32
    %dma_wait3A_85 = tpu.memref_slice %arg8[%dma_wait3A_82, %dma_wait3A_83, %dma_wait3A_84] : memref<3x80x128xf32, #tpu.memory_space<vmem>> -> memref<1x80x128xf32, #tpu.memory_space<vmem>>
    %dma_wait3A_86 = tpu.memref_squeeze %dma_wait3A_85 : memref<1x80x128xf32, #tpu.memory_space<vmem>> -> memref<80x128xf32, #tpu.memory_space<vmem>>
    %dma_wait3A_87 = tpu.memref_slice %arg6[%add3A_81] : memref<10112xi32, #tpu.memory_space<vmem>> -> memref<80xi32, #tpu.memory_space<vmem>>
    %dma_wait3A_88 = arith.constant 0 : i32
    %dma_wait3A_89 = arith.constant 0 : i32
    %dma_wait3A_90 = tpu.memref_slice %arg2[%dma_wait3A_88, %dma_wait3A_89] : memref<10000x128xf32, #tpu.memory_space<hbm>> -> memref<10000x128xf32, #tpu.memory_space<hbm>>
    tpu.wait_indirect_dma semaphore(%arg11 : memref<!tpu.dma_semaphore, #tpu.memory_space<semaphore_mem>>) src(%dma_wait3A_90 : memref<10000x128xf32, #tpu.memory_space<hbm>>) dst(%dma_wait3A_86 : memref<80x128xf32, #tpu.memory_space<vmem>>)
    %add3A_91 = arith.constant 80 : i32
    %add3A_92 = arith.addi %sub3A_25, %add3A_91 : i32
    %dma_start3A_93 = arith.constant 1 : i32
    %dma_start3A_94 = arith.constant 0 : i32
    %dma_start3A_95 = arith.constant 0 : i32
    %dma_start3A_96 = tpu.memref_slice %arg8[%dma_start3A_93, %dma_start3A_94, %dma_start3A_95] : memref<3x80x128xf32, #tpu.memory_space<vmem>> -> memref<1x80x128xf32, #tpu.memory_space<vmem>>
    %dma_start3A_97 = tpu.memref_squeeze %dma_start3A_96 : memref<1x80x128xf32, #tpu.memory_space<vmem>> -> memref<80x128xf32, #tpu.memory_space<vmem>>
    %dma_start3A_98 = tpu.memref_slice %arg7[%add3A_92] : memref<10112xi32, #tpu.memory_space<vmem>> -> memref<80xi32, #tpu.memory_space<vmem>>
    %dma_start3A_99 = arith.constant 0 : i32
    %dma_start3A_100 = arith.constant 0 : i32
    %dma_start3A_101 = tpu.memref_slice %arg9[%dma_start3A_99, %dma_start3A_100] : memref<10000x128xf32, #tpu.memory_space<vmem_shared>> -> memref<10000x128xf32, #tpu.memory_space<vmem_shared>>
    tpu.enqueue_indirect_dma source(%dma_start3A_97 : memref<80x128xf32, #tpu.memory_space<vmem>>) target(%dma_start3A_101 : memref<10000x128xf32, #tpu.memory_space<vmem_shared>>) offsets(%dma_start3A_98 : memref<80xi32, #tpu.memory_space<vmem>>) semaphore(%arg14 : memref<!tpu.dma_semaphore, #tpu.memory_space<semaphore_mem>>) {add = true}
    %scan3A = arith.constant 0 : i32
    %scan3A_102 = arith.constant 40 : i32
    %scan3A_103 = arith.addi %scan3A, %scan3A_102 : i32
    %scan3A_104 = arith.constant 1 : i32
    scf.for %scan3A_259 = %scan3A to %scan3A_103 step %scan3A_104  : i32 {
      %mul3A_260 = arith.constant 3 : i32
      %mul3A_261 = arith.muli %scan3A_259, %mul3A_260 : i32
      %add3A_262 = arith.constant 2 : i32
      %add3A_263 = arith.addi %add3A_262, %mul3A_261 : i32
      %add3A_264 = arith.constant 0 : i32
      %add3A_265 = arith.addi %add3A_263, %add3A_264 : i32
      %sub3A_266 = arith.constant 2 : i32
      %sub3A_267 = arith.subi %add3A_265, %sub3A_266 : i32
      %mul3A_268 = arith.constant 80 : i32
      %mul3A_269 = arith.muli %sub3A_267, %mul3A_268 : i32
      %add3A_270 = arith.addi %sub3A_25, %mul3A_269 : i32
      %dma_wait3A_271 = arith.constant 0 : i32
      %dma_wait3A_272 = arith.constant 0 : i32
      %dma_wait3A_273 = arith.constant 0 : i32
      %dma_wait3A_274 = tpu.memref_slice %arg8[%dma_wait3A_271, %dma_wait3A_272, %dma_wait3A_273] : memref<3x80x128xf32, #tpu.memory_space<vmem>> -> memref<1x80x128xf32, #tpu.memory_space<vmem>>
      %dma_wait3A_275 = tpu.memref_squeeze %dma_wait3A_274 : memref<1x80x128xf32, #tpu.memory_space<vmem>> -> memref<80x128xf32, #tpu.memory_space<vmem>>
      %dma_wait3A_276 = tpu.memref_slice %arg7[%add3A_270] : memref<10112xi32, #tpu.memory_space<vmem>> -> memref<80xi32, #tpu.memory_space<vmem>>
      %dma_wait3A_277 = arith.constant 0 : i32
      %dma_wait3A_278 = arith.constant 0 : i32
      %dma_wait3A_279 = tpu.memref_slice %arg9[%dma_wait3A_277, %dma_wait3A_278] : memref<10000x128xf32, #tpu.memory_space<vmem_shared>> -> memref<10000x128xf32, #tpu.memory_space<vmem_shared>>
      tpu.wait_indirect_dma semaphore(%arg13 : memref<!tpu.dma_semaphore, #tpu.memory_space<semaphore_mem>>) src(%dma_wait3A_275 : memref<80x128xf32, #tpu.memory_space<vmem>>) dst(%dma_wait3A_279 : memref<10000x128xf32, #tpu.memory_space<vmem_shared>>)
      %add3A_280 = arith.constant 1 : i32
      %add3A_281 = arith.addi %add3A_265, %add3A_280 : i32
      %mul3A_282 = arith.constant 80 : i32
      %mul3A_283 = arith.muli %add3A_281, %mul3A_282 : i32
      %add3A_284 = arith.addi %sub3A_25, %mul3A_283 : i32
      %dma_start3A_285 = arith.constant 0 : i32
      %dma_start3A_286 = arith.constant 0 : i32
      %dma_start3A_287 = arith.constant 0 : i32
      %dma_start3A_288 = tpu.memref_slice %arg8[%dma_start3A_285, %dma_start3A_286, %dma_start3A_287] : memref<3x80x128xf32, #tpu.memory_space<vmem>> -> memref<1x80x128xf32, #tpu.memory_space<vmem>>
      %dma_start3A_289 = tpu.memref_squeeze %dma_start3A_288 : memref<1x80x128xf32, #tpu.memory_space<vmem>> -> memref<80x128xf32, #tpu.memory_space<vmem>>
      %dma_start3A_290 = tpu.memref_slice %arg6[%add3A_284] : memref<10112xi32, #tpu.memory_space<vmem>> -> memref<80xi32, #tpu.memory_space<vmem>>
      %dma_start3A_291 = arith.constant 0 : i32
      %dma_start3A_292 = arith.constant 0 : i32
      %dma_start3A_293 = tpu.memref_slice %arg2[%dma_start3A_291, %dma_start3A_292] : memref<10000x128xf32, #tpu.memory_space<hbm>> -> memref<10000x128xf32, #tpu.memory_space<hbm>>
      tpu.enqueue_indirect_dma source(%dma_start3A_293 : memref<10000x128xf32, #tpu.memory_space<hbm>>) target(%dma_start3A_289 : memref<80x128xf32, #tpu.memory_space<vmem>>) offsets(%dma_start3A_290 : memref<80xi32, #tpu.memory_space<vmem>>) semaphore(%arg10 : memref<!tpu.dma_semaphore, #tpu.memory_space<semaphore_mem>>)
      %mul3A_294 = arith.constant 80 : i32
      %mul3A_295 = arith.muli %add3A_265, %mul3A_294 : i32
      %add3A_296 = arith.addi %sub3A_25, %mul3A_295 : i32
      %dma_wait3A_297 = arith.constant 2 : i32
      %dma_wait3A_298 = arith.constant 0 : i32
      %dma_wait3A_299 = arith.constant 0 : i32
      %dma_wait3A_300 = tpu.memref_slice %arg8[%dma_wait3A_297, %dma_wait3A_298, %dma_wait3A_299] : memref<3x80x128xf32, #tpu.memory_space<vmem>> -> memref<1x80x128xf32, #tpu.memory_space<vmem>>
      %dma_wait3A_301 = tpu.memref_squeeze %dma_wait3A_300 : memref<1x80x128xf32, #tpu.memory_space<vmem>> -> memref<80x128xf32, #tpu.memory_space<vmem>>
      %dma_wait3A_302 = tpu.memref_slice %arg6[%add3A_296] : memref<10112xi32, #tpu.memory_space<vmem>> -> memref<80xi32, #tpu.memory_space<vmem>>
      %dma_wait3A_303 = arith.constant 0 : i32
      %dma_wait3A_304 = arith.constant 0 : i32
      %dma_wait3A_305 = tpu.memref_slice %arg2[%dma_wait3A_303, %dma_wait3A_304] : memref<10000x128xf32, #tpu.memory_space<hbm>> -> memref<10000x128xf32, #tpu.memory_space<hbm>>
      tpu.wait_indirect_dma semaphore(%arg12 : memref<!tpu.dma_semaphore, #tpu.memory_space<semaphore_mem>>) src(%dma_wait3A_305 : memref<10000x128xf32, #tpu.memory_space<hbm>>) dst(%dma_wait3A_301 : memref<80x128xf32, #tpu.memory_space<vmem>>)
      %mul3A_306 = arith.constant 80 : i32
      %mul3A_307 = arith.muli %add3A_265, %mul3A_306 : i32
      %add3A_308 = arith.addi %sub3A_25, %mul3A_307 : i32
      %dma_start3A_309 = arith.constant 2 : i32
      %dma_start3A_310 = arith.constant 0 : i32
      %dma_start3A_311 = arith.constant 0 : i32
      %dma_start3A_312 = tpu.memref_slice %arg8[%dma_start3A_309, %dma_start3A_310, %dma_start3A_311] : memref<3x80x128xf32, #tpu.memory_space<vmem>> -> memref<1x80x128xf32, #tpu.memory_space<vmem>>
      %dma_start3A_313 = tpu.memref_squeeze %dma_start3A_312 : memref<1x80x128xf32, #tpu.memory_space<vmem>> -> memref<80x128xf32, #tpu.memory_space<vmem>>
      %dma_start3A_314 = tpu.memref_slice %arg7[%add3A_308] : memref<10112xi32, #tpu.memory_space<vmem>> -> memref<80xi32, #tpu.memory_space<vmem>>
      %dma_start3A_315 = arith.constant 0 : i32
      %dma_start3A_316 = arith.constant 0 : i32
      %dma_start3A_317 = tpu.memref_slice %arg9[%dma_start3A_315, %dma_start3A_316] : memref<10000x128xf32, #tpu.memory_space<vmem_shared>> -> memref<10000x128xf32, #tpu.memory_space<vmem_shared>>
      tpu.enqueue_indirect_dma source(%dma_start3A_313 : memref<80x128xf32, #tpu.memory_space<vmem>>) target(%dma_start3A_317 : memref<10000x128xf32, #tpu.memory_space<vmem_shared>>) offsets(%dma_start3A_314 : memref<80xi32, #tpu.memory_space<vmem>>) semaphore(%arg15 : memref<!tpu.dma_semaphore, #tpu.memory_space<semaphore_mem>>) {add = true}
      %add3A_318 = arith.constant 1 : i32
      %add3A_319 = arith.addi %add3A_263, %add3A_318 : i32
      %sub3A_320 = arith.constant 2 : i32
      %sub3A_321 = arith.subi %add3A_319, %sub3A_320 : i32
      %mul3A_322 = arith.constant 80 : i32
      %mul3A_323 = arith.muli %sub3A_321, %mul3A_322 : i32
      %add3A_324 = arith.addi %sub3A_25, %mul3A_323 : i32
      %dma_wait3A_325 = arith.constant 1 : i32
      %dma_wait3A_326 = arith.constant 0 : i32
      %dma_wait3A_327 = arith.constant 0 : i32
      %dma_wait3A_328 = tpu.memref_slice %arg8[%dma_wait3A_325, %dma_wait3A_326, %dma_wait3A_327] : memref<3x80x128xf32, #tpu.memory_space<vmem>> -> memref<1x80x128xf32, #tpu.memory_space<vmem>>
      %dma_wait3A_329 = tpu.memref_squeeze %dma_wait3A_328 : memref<1x80x128xf32, #tpu.memory_space<vmem>> -> memref<80x128xf32, #tpu.memory_space<vmem>>
      %dma_wait3A_330 = tpu.memref_slice %arg7[%add3A_324] : memref<10112xi32, #tpu.memory_space<vmem>> -> memref<80xi32, #tpu.memory_space<vmem>>
      %dma_wait3A_331 = arith.constant 0 : i32
      %dma_wait3A_332 = arith.constant 0 : i32
      %dma_wait3A_333 = tpu.memref_slice %arg9[%dma_wait3A_331, %dma_wait3A_332] : memref<10000x128xf32, #tpu.memory_space<vmem_shared>> -> memref<10000x128xf32, #tpu.memory_space<vmem_shared>>
      tpu.wait_indirect_dma semaphore(%arg14 : memref<!tpu.dma_semaphore, #tpu.memory_space<semaphore_mem>>) src(%dma_wait3A_329 : memref<80x128xf32, #tpu.memory_space<vmem>>) dst(%dma_wait3A_333 : memref<10000x128xf32, #tpu.memory_space<vmem_shared>>)
      %add3A_334 = arith.constant 1 : i32
      %add3A_335 = arith.addi %add3A_319, %add3A_334 : i32
      %mul3A_336 = arith.constant 80 : i32
      %mul3A_337 = arith.muli %add3A_335, %mul3A_336 : i32
      %add3A_338 = arith.addi %sub3A_25, %mul3A_337 : i32
      %dma_start3A_339 = arith.constant 1 : i32
      %dma_start3A_340 = arith.constant 0 : i32
      %dma_start3A_341 = arith.constant 0 : i32
      %dma_start3A_342 = tpu.memref_slice %arg8[%dma_start3A_339, %dma_start3A_340, %dma_start3A_341] : memref<3x80x128xf32, #tpu.memory_space<vmem>> -> memref<1x80x128xf32, #tpu.memory_space<vmem>>
      %dma_start3A_343 = tpu.memref_squeeze %dma_start3A_342 : memref<1x80x128xf32, #tpu.memory_space<vmem>> -> memref<80x128xf32, #tpu.memory_space<vmem>>
      %dma_start3A_344 = tpu.memref_slice %arg6[%add3A_338] : memref<10112xi32, #tpu.memory_space<vmem>> -> memref<80xi32, #tpu.memory_space<vmem>>
      %dma_start3A_345 = arith.constant 0 : i32
      %dma_start3A_346 = arith.constant 0 : i32
      %dma_start3A_347 = tpu.memref_slice %arg2[%dma_start3A_345, %dma_start3A_346] : memref<10000x128xf32, #tpu.memory_space<hbm>> -> memref<10000x128xf32, #tpu.memory_space<hbm>>
      tpu.enqueue_indirect_dma source(%dma_start3A_347 : memref<10000x128xf32, #tpu.memory_space<hbm>>) target(%dma_start3A_343 : memref<80x128xf32, #tpu.memory_space<vmem>>) offsets(%dma_start3A_344 : memref<80xi32, #tpu.memory_space<vmem>>) semaphore(%arg11 : memref<!tpu.dma_semaphore, #tpu.memory_space<semaphore_mem>>)
      %mul3A_348 = arith.constant 80 : i32
      %mul3A_349 = arith.muli %add3A_319, %mul3A_348 : i32
      %add3A_350 = arith.addi %sub3A_25, %mul3A_349 : i32
      %dma_wait3A_351 = arith.constant 0 : i32
      %dma_wait3A_352 = arith.constant 0 : i32
      %dma_wait3A_353 = arith.constant 0 : i32
      %dma_wait3A_354 = tpu.memref_slice %arg8[%dma_wait3A_351, %dma_wait3A_352, %dma_wait3A_353] : memref<3x80x128xf32, #tpu.memory_space<vmem>> -> memref<1x80x128xf32, #tpu.memory_space<vmem>>
      %dma_wait3A_355 = tpu.memref_squeeze %dma_wait3A_354 : memref<1x80x128xf32, #tpu.memory_space<vmem>> -> memref<80x128xf32, #tpu.memory_space<vmem>>
      %dma_wait3A_356 = tpu.memref_slice %arg6[%add3A_350] : memref<10112xi32, #tpu.memory_space<vmem>> -> memref<80xi32, #tpu.memory_space<vmem>>
      %dma_wait3A_357 = arith.constant 0 : i32
      %dma_wait3A_358 = arith.constant 0 : i32
      %dma_wait3A_359 = tpu.memref_slice %arg2[%dma_wait3A_357, %dma_wait3A_358] : memref<10000x128xf32, #tpu.memory_space<hbm>> -> memref<10000x128xf32, #tpu.memory_space<hbm>>
      tpu.wait_indirect_dma semaphore(%arg10 : memref<!tpu.dma_semaphore, #tpu.memory_space<semaphore_mem>>) src(%dma_wait3A_359 : memref<10000x128xf32, #tpu.memory_space<hbm>>) dst(%dma_wait3A_355 : memref<80x128xf32, #tpu.memory_space<vmem>>)
      %mul3A_360 = arith.constant 80 : i32
      %mul3A_361 = arith.muli %add3A_319, %mul3A_360 : i32
      %add3A_362 = arith.addi %sub3A_25, %mul3A_361 : i32
      %dma_start3A_363 = arith.constant 0 : i32
      %dma_start3A_364 = arith.constant 0 : i32
      %dma_start3A_365 = arith.constant 0 : i32
      %dma_start3A_366 = tpu.memref_slice %arg8[%dma_start3A_363, %dma_start3A_364, %dma_start3A_365] : memref<3x80x128xf32, #tpu.memory_space<vmem>> -> memref<1x80x128xf32, #tpu.memory_space<vmem>>
      %dma_start3A_367 = tpu.memref_squeeze %dma_start3A_366 : memref<1x80x128xf32, #tpu.memory_space<vmem>> -> memref<80x128xf32, #tpu.memory_space<vmem>>
      %dma_start3A_368 = tpu.memref_slice %arg7[%add3A_362] : memref<10112xi32, #tpu.memory_space<vmem>> -> memref<80xi32, #tpu.memory_space<vmem>>
      %dma_start3A_369 = arith.constant 0 : i32
      %dma_start3A_370 = arith.constant 0 : i32
      %dma_start3A_371 = tpu.memref_slice %arg9[%dma_start3A_369, %dma_start3A_370] : memref<10000x128xf32, #tpu.memory_space<vmem_shared>> -> memref<10000x128xf32, #tpu.memory_space<vmem_shared>>
      tpu.enqueue_indirect_dma source(%dma_start3A_367 : memref<80x128xf32, #tpu.memory_space<vmem>>) target(%dma_start3A_371 : memref<10000x128xf32, #tpu.memory_space<vmem_shared>>) offsets(%dma_start3A_368 : memref<80xi32, #tpu.memory_space<vmem>>) semaphore(%arg13 : memref<!tpu.dma_semaphore, #tpu.memory_space<semaphore_mem>>) {add = true}
      %add3A_372 = arith.constant 2 : i32
      %add3A_373 = arith.addi %add3A_263, %add3A_372 : i32
      %sub3A_374 = arith.constant 2 : i32
      %sub3A_375 = arith.subi %add3A_373, %sub3A_374 : i32
      %mul3A_376 = arith.constant 80 : i32
      %mul3A_377 = arith.muli %sub3A_375, %mul3A_376 : i32
      %add3A_378 = arith.addi %sub3A_25, %mul3A_377 : i32
      %dma_wait3A_379 = arith.constant 2 : i32
      %dma_wait3A_380 = arith.constant 0 : i32
      %dma_wait3A_381 = arith.constant 0 : i32
      %dma_wait3A_382 = tpu.memref_slice %arg8[%dma_wait3A_379, %dma_wait3A_380, %dma_wait3A_381] : memref<3x80x128xf32, #tpu.memory_space<vmem>> -> memref<1x80x128xf32, #tpu.memory_space<vmem>>
      %dma_wait3A_383 = tpu.memref_squeeze %dma_wait3A_382 : memref<1x80x128xf32, #tpu.memory_space<vmem>> -> memref<80x128xf32, #tpu.memory_space<vmem>>
      %dma_wait3A_384 = tpu.memref_slice %arg7[%add3A_378] : memref<10112xi32, #tpu.memory_space<vmem>> -> memref<80xi32, #tpu.memory_space<vmem>>
      %dma_wait3A_385 = arith.constant 0 : i32
      %dma_wait3A_386 = arith.constant 0 : i32
      %dma_wait3A_387 = tpu.memref_slice %arg9[%dma_wait3A_385, %dma_wait3A_386] : memref<10000x128xf32, #tpu.memory_space<vmem_shared>> -> memref<10000x128xf32, #tpu.memory_space<vmem_shared>>
      tpu.wait_indirect_dma semaphore(%arg15 : memref<!tpu.dma_semaphore, #tpu.memory_space<semaphore_mem>>) src(%dma_wait3A_383 : memref<80x128xf32, #tpu.memory_space<vmem>>) dst(%dma_wait3A_387 : memref<10000x128xf32, #tpu.memory_space<vmem_shared>>)
      %add3A_388 = arith.constant 1 : i32
      %add3A_389 = arith.addi %add3A_373, %add3A_388 : i32
      %mul3A_390 = arith.constant 80 : i32
      %mul3A_391 = arith.muli %add3A_389, %mul3A_390 : i32
      %add3A_392 = arith.addi %sub3A_25, %mul3A_391 : i32
      %dma_start3A_393 = arith.constant 2 : i32
      %dma_start3A_394 = arith.constant 0 : i32
      %dma_start3A_395 = arith.constant 0 : i32
      %dma_start3A_396 = tpu.memref_slice %arg8[%dma_start3A_393, %dma_start3A_394, %dma_start3A_395] : memref<3x80x128xf32, #tpu.memory_space<vmem>> -> memref<1x80x128xf32, #tpu.memory_space<vmem>>
      %dma_start3A_397 = tpu.memref_squeeze %dma_start3A_396 : memref<1x80x128xf32, #tpu.memory_space<vmem>> -> memref<80x128xf32, #tpu.memory_space<vmem>>
      %dma_start3A_398 = tpu.memref_slice %arg6[%add3A_392] : memref<10112xi32, #tpu.memory_space<vmem>> -> memref<80xi32, #tpu.memory_space<vmem>>
      %dma_start3A_399 = arith.constant 0 : i32
      %dma_start3A_400 = arith.constant 0 : i32
      %dma_start3A_401 = tpu.memref_slice %arg2[%dma_start3A_399, %dma_start3A_400] : memref<10000x128xf32, #tpu.memory_space<hbm>> -> memref<10000x128xf32, #tpu.memory_space<hbm>>
      tpu.enqueue_indirect_dma source(%dma_start3A_401 : memref<10000x128xf32, #tpu.memory_space<hbm>>) target(%dma_start3A_397 : memref<80x128xf32, #tpu.memory_space<vmem>>) offsets(%dma_start3A_398 : memref<80xi32, #tpu.memory_space<vmem>>) semaphore(%arg12 : memref<!tpu.dma_semaphore, #tpu.memory_space<semaphore_mem>>)
      %mul3A_402 = arith.constant 80 : i32
      %mul3A_403 = arith.muli %add3A_373, %mul3A_402 : i32
      %add3A_404 = arith.addi %sub3A_25, %mul3A_403 : i32
      %dma_wait3A_405 = arith.constant 1 : i32
      %dma_wait3A_406 = arith.constant 0 : i32
      %dma_wait3A_407 = arith.constant 0 : i32
      %dma_wait3A_408 = tpu.memref_slice %arg8[%dma_wait3A_405, %dma_wait3A_406, %dma_wait3A_407] : memref<3x80x128xf32, #tpu.memory_space<vmem>> -> memref<1x80x128xf32, #tpu.memory_space<vmem>>
      %dma_wait3A_409 = tpu.memref_squeeze %dma_wait3A_408 : memref<1x80x128xf32, #tpu.memory_space<vmem>> -> memref<80x128xf32, #tpu.memory_space<vmem>>
      %dma_wait3A_410 = tpu.memref_slice %arg6[%add3A_404] : memref<10112xi32, #tpu.memory_space<vmem>> -> memref<80xi32, #tpu.memory_space<vmem>>
      %dma_wait3A_411 = arith.constant 0 : i32
      %dma_wait3A_412 = arith.constant 0 : i32
      %dma_wait3A_413 = tpu.memref_slice %arg2[%dma_wait3A_411, %dma_wait3A_412] : memref<10000x128xf32, #tpu.memory_space<hbm>> -> memref<10000x128xf32, #tpu.memory_space<hbm>>
      tpu.wait_indirect_dma semaphore(%arg11 : memref<!tpu.dma_semaphore, #tpu.memory_space<semaphore_mem>>) src(%dma_wait3A_413 : memref<10000x128xf32, #tpu.memory_space<hbm>>) dst(%dma_wait3A_409 : memref<80x128xf32, #tpu.memory_space<vmem>>)
      %mul3A_414 = arith.constant 80 : i32
      %mul3A_415 = arith.muli %add3A_373, %mul3A_414 : i32
      %add3A_416 = arith.addi %sub3A_25, %mul3A_415 : i32
      %dma_start3A_417 = arith.constant 1 : i32
      %dma_start3A_418 = arith.constant 0 : i32
      %dma_start3A_419 = arith.constant 0 : i32
      %dma_start3A_420 = tpu.memref_slice %arg8[%dma_start3A_417, %dma_start3A_418, %dma_start3A_419] : memref<3x80x128xf32, #tpu.memory_space<vmem>> -> memref<1x80x128xf32, #tpu.memory_space<vmem>>
      %dma_start3A_421 = tpu.memref_squeeze %dma_start3A_420 : memref<1x80x128xf32, #tpu.memory_space<vmem>> -> memref<80x128xf32, #tpu.memory_space<vmem>>
      %dma_start3A_422 = tpu.memref_slice %arg7[%add3A_416] : memref<10112xi32, #tpu.memory_space<vmem>> -> memref<80xi32, #tpu.memory_space<vmem>>
      %dma_start3A_423 = arith.constant 0 : i32
      %dma_start3A_424 = arith.constant 0 : i32
      %dma_start3A_425 = tpu.memref_slice %arg9[%dma_start3A_423, %dma_start3A_424] : memref<10000x128xf32, #tpu.memory_space<vmem_shared>> -> memref<10000x128xf32, #tpu.memory_space<vmem_shared>>
      tpu.enqueue_indirect_dma source(%dma_start3A_421 : memref<80x128xf32, #tpu.memory_space<vmem>>) target(%dma_start3A_425 : memref<10000x128xf32, #tpu.memory_space<vmem_shared>>) offsets(%dma_start3A_422 : memref<80xi32, #tpu.memory_space<vmem>>) semaphore(%arg14 : memref<!tpu.dma_semaphore, #tpu.memory_space<semaphore_mem>>) {add = true}
    }
    %scan3A_105 = arith.constant 40 : i32
    %add3A_106 = arith.constant 9600 : i32
    %add3A_107 = arith.addi %sub3A_25, %add3A_106 : i32
    %dma_wait3A_108 = arith.constant 0 : i32
    %dma_wait3A_109 = arith.constant 0 : i32
    %dma_wait3A_110 = arith.constant 0 : i32
    %dma_wait3A_111 = tpu.memref_slice %arg8[%dma_wait3A_108, %dma_wait3A_109, %dma_wait3A_110] : memref<3x80x128xf32, #tpu.memory_space<vmem>> -> memref<1x80x128xf32, #tpu.memory_space<vmem>>
    %dma_wait3A_112 = tpu.memref_squeeze %dma_wait3A_111 : memref<1x80x128xf32, #tpu.memory_space<vmem>> -> memref<80x128xf32, #tpu.memory_space<vmem>>
    %dma_wait3A_113 = tpu.memref_slice %arg7[%add3A_107] : memref<10112xi32, #tpu.memory_space<vmem>> -> memref<80xi32, #tpu.memory_space<vmem>>
    %dma_wait3A_114 = arith.constant 0 : i32
    %dma_wait3A_115 = arith.constant 0 : i32
    %dma_wait3A_116 = tpu.memref_slice %arg9[%dma_wait3A_114, %dma_wait3A_115] : memref<10000x128xf32, #tpu.memory_space<vmem_shared>> -> memref<10000x128xf32, #tpu.memory_space<vmem_shared>>
    tpu.wait_indirect_dma semaphore(%arg13 : memref<!tpu.dma_semaphore, #tpu.memory_space<semaphore_mem>>) src(%dma_wait3A_112 : memref<80x128xf32, #tpu.memory_space<vmem>>) dst(%dma_wait3A_116 : memref<10000x128xf32, #tpu.memory_space<vmem_shared>>)
    %add3A_117 = arith.constant 9840 : i32
    %add3A_118 = arith.addi %sub3A_25, %add3A_117 : i32
    %dma_start3A_119 = arith.constant 0 : i32
    %dma_start3A_120 = arith.constant 0 : i32
    %dma_start3A_121 = arith.constant 0 : i32
    %dma_start3A_122 = tpu.memref_slice %arg8[%dma_start3A_119, %dma_start3A_120, %dma_start3A_121] : memref<3x80x128xf32, #tpu.memory_space<vmem>> -> memref<1x80x128xf32, #tpu.memory_space<vmem>>
    %dma_start3A_123 = tpu.memref_squeeze %dma_start3A_122 : memref<1x80x128xf32, #tpu.memory_space<vmem>> -> memref<80x128xf32, #tpu.memory_space<vmem>>
    %dma_start3A_124 = tpu.memref_slice %arg6[%add3A_118] : memref<10112xi32, #tpu.memory_space<vmem>> -> memref<80xi32, #tpu.memory_space<vmem>>
    %dma_start3A_125 = arith.constant 0 : i32
    %dma_start3A_126 = arith.constant 0 : i32
    %dma_start3A_127 = tpu.memref_slice %arg2[%dma_start3A_125, %dma_start3A_126] : memref<10000x128xf32, #tpu.memory_space<hbm>> -> memref<10000x128xf32, #tpu.memory_space<hbm>>
    tpu.enqueue_indirect_dma source(%dma_start3A_127 : memref<10000x128xf32, #tpu.memory_space<hbm>>) target(%dma_start3A_123 : memref<80x128xf32, #tpu.memory_space<vmem>>) offsets(%dma_start3A_124 : memref<80xi32, #tpu.memory_space<vmem>>) semaphore(%arg10 : memref<!tpu.dma_semaphore, #tpu.memory_space<semaphore_mem>>)
    %add3A_128 = arith.constant 9760 : i32
    %add3A_129 = arith.addi %sub3A_25, %add3A_128 : i32
    %dma_wait3A_130 = arith.constant 2 : i32
    %dma_wait3A_131 = arith.constant 0 : i32
    %dma_wait3A_132 = arith.constant 0 : i32
    %dma_wait3A_133 = tpu.memref_slice %arg8[%dma_wait3A_130, %dma_wait3A_131, %dma_wait3A_132] : memref<3x80x128xf32, #tpu.memory_space<vmem>> -> memref<1x80x128xf32, #tpu.memory_space<vmem>>
    %dma_wait3A_134 = tpu.memref_squeeze %dma_wait3A_133 : memref<1x80x128xf32, #tpu.memory_space<vmem>> -> memref<80x128xf32, #tpu.memory_space<vmem>>
    %dma_wait3A_135 = tpu.memref_slice %arg6[%add3A_129] : memref<10112xi32, #tpu.memory_space<vmem>> -> memref<80xi32, #tpu.memory_space<vmem>>
    %dma_wait3A_136 = arith.constant 0 : i32
    %dma_wait3A_137 = arith.constant 0 : i32
    %dma_wait3A_138 = tpu.memref_slice %arg2[%dma_wait3A_136, %dma_wait3A_137] : memref<10000x128xf32, #tpu.memory_space<hbm>> -> memref<10000x128xf32, #tpu.memory_space<hbm>>
    tpu.wait_indirect_dma semaphore(%arg12 : memref<!tpu.dma_semaphore, #tpu.memory_space<semaphore_mem>>) src(%dma_wait3A_138 : memref<10000x128xf32, #tpu.memory_space<hbm>>) dst(%dma_wait3A_134 : memref<80x128xf32, #tpu.memory_space<vmem>>)
    %add3A_139 = arith.constant 9760 : i32
    %add3A_140 = arith.addi %sub3A_25, %add3A_139 : i32
    %dma_start3A_141 = arith.constant 2 : i32
    %dma_start3A_142 = arith.constant 0 : i32
    %dma_start3A_143 = arith.constant 0 : i32
    %dma_start3A_144 = tpu.memref_slice %arg8[%dma_start3A_141, %dma_start3A_142, %dma_start3A_143] : memref<3x80x128xf32, #tpu.memory_space<vmem>> -> memref<1x80x128xf32, #tpu.memory_space<vmem>>
    %dma_start3A_145 = tpu.memref_squeeze %dma_start3A_144 : memref<1x80x128xf32, #tpu.memory_space<vmem>> -> memref<80x128xf32, #tpu.memory_space<vmem>>
    %dma_start3A_146 = tpu.memref_slice %arg7[%add3A_140] : memref<10112xi32, #tpu.memory_space<vmem>> -> memref<80xi32, #tpu.memory_space<vmem>>
    %dma_start3A_147 = arith.constant 0 : i32
    %dma_start3A_148 = arith.constant 0 : i32
    %dma_start3A_149 = tpu.memref_slice %arg9[%dma_start3A_147, %dma_start3A_148] : memref<10000x128xf32, #tpu.memory_space<vmem_shared>> -> memref<10000x128xf32, #tpu.memory_space<vmem_shared>>
    tpu.enqueue_indirect_dma source(%dma_start3A_145 : memref<80x128xf32, #tpu.memory_space<vmem>>) target(%dma_start3A_149 : memref<10000x128xf32, #tpu.memory_space<vmem_shared>>) offsets(%dma_start3A_146 : memref<80xi32, #tpu.memory_space<vmem>>) semaphore(%arg15 : memref<!tpu.dma_semaphore, #tpu.memory_space<semaphore_mem>>) {add = true}
    %add3A_150 = arith.constant 9680 : i32
    %add3A_151 = arith.addi %sub3A_25, %add3A_150 : i32
    %dma_wait3A_152 = arith.constant 1 : i32
    %dma_wait3A_153 = arith.constant 0 : i32
    %dma_wait3A_154 = arith.constant 0 : i32
    %dma_wait3A_155 = tpu.memref_slice %arg8[%dma_wait3A_152, %dma_wait3A_153, %dma_wait3A_154] : memref<3x80x128xf32, #tpu.memory_space<vmem>> -> memref<1x80x128xf32, #tpu.memory_space<vmem>>
    %dma_wait3A_156 = tpu.memref_squeeze %dma_wait3A_155 : memref<1x80x128xf32, #tpu.memory_space<vmem>> -> memref<80x128xf32, #tpu.memory_space<vmem>>
    %dma_wait3A_157 = tpu.memref_slice %arg7[%add3A_151] : memref<10112xi32, #tpu.memory_space<vmem>> -> memref<80xi32, #tpu.memory_space<vmem>>
    %dma_wait3A_158 = arith.constant 0 : i32
    %dma_wait3A_159 = arith.constant 0 : i32
    %dma_wait3A_160 = tpu.memref_slice %arg9[%dma_wait3A_158, %dma_wait3A_159] : memref<10000x128xf32, #tpu.memory_space<vmem_shared>> -> memref<10000x128xf32, #tpu.memory_space<vmem_shared>>
    tpu.wait_indirect_dma semaphore(%arg14 : memref<!tpu.dma_semaphore, #tpu.memory_space<semaphore_mem>>) src(%dma_wait3A_156 : memref<80x128xf32, #tpu.memory_space<vmem>>) dst(%dma_wait3A_160 : memref<10000x128xf32, #tpu.memory_space<vmem_shared>>)
    %add3A_161 = arith.constant 9920 : i32
    %add3A_162 = arith.addi %sub3A_25, %add3A_161 : i32
    %dma_start3A_163 = arith.constant 1 : i32
    %dma_start3A_164 = arith.constant 0 : i32
    %dma_start3A_165 = arith.constant 0 : i32
    %dma_start3A_166 = tpu.memref_slice %arg8[%dma_start3A_163, %dma_start3A_164, %dma_start3A_165] : memref<3x80x128xf32, #tpu.memory_space<vmem>> -> memref<1x80x128xf32, #tpu.memory_space<vmem>>
    %dma_start3A_167 = tpu.memref_squeeze %dma_start3A_166 : memref<1x80x128xf32, #tpu.memory_space<vmem>> -> memref<80x128xf32, #tpu.memory_space<vmem>>
    %dma_start3A_168 = tpu.memref_slice %arg6[%add3A_162] : memref<10112xi32, #tpu.memory_space<vmem>> -> memref<80xi32, #tpu.memory_space<vmem>>
    %dma_start3A_169 = arith.constant 0 : i32
    %dma_start3A_170 = arith.constant 0 : i32
    %dma_start3A_171 = tpu.memref_slice %arg2[%dma_start3A_169, %dma_start3A_170] : memref<10000x128xf32, #tpu.memory_space<hbm>> -> memref<10000x128xf32, #tpu.memory_space<hbm>>
    tpu.enqueue_indirect_dma source(%dma_start3A_171 : memref<10000x128xf32, #tpu.memory_space<hbm>>) target(%dma_start3A_167 : memref<80x128xf32, #tpu.memory_space<vmem>>) offsets(%dma_start3A_168 : memref<80xi32, #tpu.memory_space<vmem>>) semaphore(%arg11 : memref<!tpu.dma_semaphore, #tpu.memory_space<semaphore_mem>>)
    %add3A_172 = arith.constant 9840 : i32
    %add3A_173 = arith.addi %sub3A_25, %add3A_172 : i32
    %dma_wait3A_174 = arith.constant 0 : i32
    %dma_wait3A_175 = arith.constant 0 : i32
    %dma_wait3A_176 = arith.constant 0 : i32
    %dma_wait3A_177 = tpu.memref_slice %arg8[%dma_wait3A_174, %dma_wait3A_175, %dma_wait3A_176] : memref<3x80x128xf32, #tpu.memory_space<vmem>> -> memref<1x80x128xf32, #tpu.memory_space<vmem>>
    %dma_wait3A_178 = tpu.memref_squeeze %dma_wait3A_177 : memref<1x80x128xf32, #tpu.memory_space<vmem>> -> memref<80x128xf32, #tpu.memory_space<vmem>>
    %dma_wait3A_179 = tpu.memref_slice %arg6[%add3A_173] : memref<10112xi32, #tpu.memory_space<vmem>> -> memref<80xi32, #tpu.memory_space<vmem>>
    %dma_wait3A_180 = arith.constant 0 : i32
    %dma_wait3A_181 = arith.constant 0 : i32
    %dma_wait3A_182 = tpu.memref_slice %arg2[%dma_wait3A_180, %dma_wait3A_181] : memref<10000x128xf32, #tpu.memory_space<hbm>> -> memref<10000x128xf32, #tpu.memory_space<hbm>>
    tpu.wait_indirect_dma semaphore(%arg10 : memref<!tpu.dma_semaphore, #tpu.memory_space<semaphore_mem>>) src(%dma_wait3A_182 : memref<10000x128xf32, #tpu.memory_space<hbm>>) dst(%dma_wait3A_178 : memref<80x128xf32, #tpu.memory_space<vmem>>)
    %add3A_183 = arith.constant 9840 : i32
    %add3A_184 = arith.addi %sub3A_25, %add3A_183 : i32
    %dma_start3A_185 = arith.constant 0 : i32
    %dma_start3A_186 = arith.constant 0 : i32
    %dma_start3A_187 = arith.constant 0 : i32
    %dma_start3A_188 = tpu.memref_slice %arg8[%dma_start3A_185, %dma_start3A_186, %dma_start3A_187] : memref<3x80x128xf32, #tpu.memory_space<vmem>> -> memref<1x80x128xf32, #tpu.memory_space<vmem>>
    %dma_start3A_189 = tpu.memref_squeeze %dma_start3A_188 : memref<1x80x128xf32, #tpu.memory_space<vmem>> -> memref<80x128xf32, #tpu.memory_space<vmem>>
    %dma_start3A_190 = tpu.memref_slice %arg7[%add3A_184] : memref<10112xi32, #tpu.memory_space<vmem>> -> memref<80xi32, #tpu.memory_space<vmem>>
    %dma_start3A_191 = arith.constant 0 : i32
    %dma_start3A_192 = arith.constant 0 : i32
    %dma_start3A_193 = tpu.memref_slice %arg9[%dma_start3A_191, %dma_start3A_192] : memref<10000x128xf32, #tpu.memory_space<vmem_shared>> -> memref<10000x128xf32, #tpu.memory_space<vmem_shared>>
    tpu.enqueue_indirect_dma source(%dma_start3A_189 : memref<80x128xf32, #tpu.memory_space<vmem>>) target(%dma_start3A_193 : memref<10000x128xf32, #tpu.memory_space<vmem_shared>>) offsets(%dma_start3A_190 : memref<80xi32, #tpu.memory_space<vmem>>) semaphore(%arg13 : memref<!tpu.dma_semaphore, #tpu.memory_space<semaphore_mem>>) {add = true}
    %add3A_194 = arith.constant 9760 : i32
    %add3A_195 = arith.addi %sub3A_25, %add3A_194 : i32
    %dma_wait3A_196 = arith.constant 2 : i32
    %dma_wait3A_197 = arith.constant 0 : i32
    %dma_wait3A_198 = arith.constant 0 : i32
    %dma_wait3A_199 = tpu.memref_slice %arg8[%dma_wait3A_196, %dma_wait3A_197, %dma_wait3A_198] : memref<3x80x128xf32, #tpu.memory_space<vmem>> -> memref<1x80x128xf32, #tpu.memory_space<vmem>>
    %dma_wait3A_200 = tpu.memref_squeeze %dma_wait3A_199 : memref<1x80x128xf32, #tpu.memory_space<vmem>> -> memref<80x128xf32, #tpu.memory_space<vmem>>
    %dma_wait3A_201 = tpu.memref_slice %arg7[%add3A_195] : memref<10112xi32, #tpu.memory_space<vmem>> -> memref<80xi32, #tpu.memory_space<vmem>>
    %dma_wait3A_202 = arith.constant 0 : i32
    %dma_wait3A_203 = arith.constant 0 : i32
    %dma_wait3A_204 = tpu.memref_slice %arg9[%dma_wait3A_202, %dma_wait3A_203] : memref<10000x128xf32, #tpu.memory_space<vmem_shared>> -> memref<10000x128xf32, #tpu.memory_space<vmem_shared>>
    tpu.wait_indirect_dma semaphore(%arg15 : memref<!tpu.dma_semaphore, #tpu.memory_space<semaphore_mem>>) src(%dma_wait3A_200 : memref<80x128xf32, #tpu.memory_space<vmem>>) dst(%dma_wait3A_204 : memref<10000x128xf32, #tpu.memory_space<vmem_shared>>)
    %add3A_205 = arith.constant 9920 : i32
    %add3A_206 = arith.addi %sub3A_25, %add3A_205 : i32
    %dma_wait3A_207 = arith.constant 1 : i32
    %dma_wait3A_208 = arith.constant 0 : i32
    %dma_wait3A_209 = arith.constant 0 : i32
    %dma_wait3A_210 = tpu.memref_slice %arg8[%dma_wait3A_207, %dma_wait3A_208, %dma_wait3A_209] : memref<3x80x128xf32, #tpu.memory_space<vmem>> -> memref<1x80x128xf32, #tpu.memory_space<vmem>>
    %dma_wait3A_211 = tpu.memref_squeeze %dma_wait3A_210 : memref<1x80x128xf32, #tpu.memory_space<vmem>> -> memref<80x128xf32, #tpu.memory_space<vmem>>
    %dma_wait3A_212 = tpu.memref_slice %arg6[%add3A_206] : memref<10112xi32, #tpu.memory_space<vmem>> -> memref<80xi32, #tpu.memory_space<vmem>>
    %dma_wait3A_213 = arith.constant 0 : i32
    %dma_wait3A_214 = arith.constant 0 : i32
    %dma_wait3A_215 = tpu.memref_slice %arg2[%dma_wait3A_213, %dma_wait3A_214] : memref<10000x128xf32, #tpu.memory_space<hbm>> -> memref<10000x128xf32, #tpu.memory_space<hbm>>
    tpu.wait_indirect_dma semaphore(%arg11 : memref<!tpu.dma_semaphore, #tpu.memory_space<semaphore_mem>>) src(%dma_wait3A_215 : memref<10000x128xf32, #tpu.memory_space<hbm>>) dst(%dma_wait3A_211 : memref<80x128xf32, #tpu.memory_space<vmem>>)
    %add3A_216 = arith.constant 9920 : i32
    %add3A_217 = arith.addi %sub3A_25, %add3A_216 : i32
    %dma_start3A_218 = arith.constant 1 : i32
    %dma_start3A_219 = arith.constant 0 : i32
    %dma_start3A_220 = arith.constant 0 : i32
    %dma_start3A_221 = tpu.memref_slice %arg8[%dma_start3A_218, %dma_start3A_219, %dma_start3A_220] : memref<3x80x128xf32, #tpu.memory_space<vmem>> -> memref<1x80x128xf32, #tpu.memory_space<vmem>>
    %dma_start3A_222 = tpu.memref_squeeze %dma_start3A_221 : memref<1x80x128xf32, #tpu.memory_space<vmem>> -> memref<80x128xf32, #tpu.memory_space<vmem>>
    %dma_start3A_223 = tpu.memref_slice %arg7[%add3A_217] : memref<10112xi32, #tpu.memory_space<vmem>> -> memref<80xi32, #tpu.memory_space<vmem>>
    %dma_start3A_224 = arith.constant 0 : i32
    %dma_start3A_225 = arith.constant 0 : i32
    %dma_start3A_226 = tpu.memref_slice %arg9[%dma_start3A_224, %dma_start3A_225] : memref<10000x128xf32, #tpu.memory_space<vmem_shared>> -> memref<10000x128xf32, #tpu.memory_space<vmem_shared>>
    tpu.enqueue_indirect_dma source(%dma_start3A_222 : memref<80x128xf32, #tpu.memory_space<vmem>>) target(%dma_start3A_226 : memref<10000x128xf32, #tpu.memory_space<vmem_shared>>) offsets(%dma_start3A_223 : memref<80xi32, #tpu.memory_space<vmem>>) semaphore(%arg14 : memref<!tpu.dma_semaphore, #tpu.memory_space<semaphore_mem>>) {add = true}
    %add3A_227 = arith.constant 9840 : i32
    %add3A_228 = arith.addi %sub3A_25, %add3A_227 : i32
    %dma_wait3A_229 = arith.constant 0 : i32
    %dma_wait3A_230 = arith.constant 0 : i32
    %dma_wait3A_231 = arith.constant 0 : i32
    %dma_wait3A_232 = tpu.memref_slice %arg8[%dma_wait3A_229, %dma_wait3A_230, %dma_wait3A_231] : memref<3x80x128xf32, #tpu.memory_space<vmem>> -> memref<1x80x128xf32, #tpu.memory_space<vmem>>
    %dma_wait3A_233 = tpu.memref_squeeze %dma_wait3A_232 : memref<1x80x128xf32, #tpu.memory_space<vmem>> -> memref<80x128xf32, #tpu.memory_space<vmem>>
    %dma_wait3A_234 = tpu.memref_slice %arg7[%add3A_228] : memref<10112xi32, #tpu.memory_space<vmem>> -> memref<80xi32, #tpu.memory_space<vmem>>
    %dma_wait3A_235 = arith.constant 0 : i32
    %dma_wait3A_236 = arith.constant 0 : i32
    %dma_wait3A_237 = tpu.memref_slice %arg9[%dma_wait3A_235, %dma_wait3A_236] : memref<10000x128xf32, #tpu.memory_space<vmem_shared>> -> memref<10000x128xf32, #tpu.memory_space<vmem_shared>>
    tpu.wait_indirect_dma semaphore(%arg13 : memref<!tpu.dma_semaphore, #tpu.memory_space<semaphore_mem>>) src(%dma_wait3A_233 : memref<80x128xf32, #tpu.memory_space<vmem>>) dst(%dma_wait3A_237 : memref<10000x128xf32, #tpu.memory_space<vmem_shared>>)
    %add3A_238 = arith.constant 9920 : i32
    %add3A_239 = arith.addi %sub3A_25, %add3A_238 : i32
    %dma_wait3A_240 = arith.constant 1 : i32
    %dma_wait3A_241 = arith.constant 0 : i32
    %dma_wait3A_242 = arith.constant 0 : i32
    %dma_wait3A_243 = tpu.memref_slice %arg8[%dma_wait3A_240, %dma_wait3A_241, %dma_wait3A_242] : memref<3x80x128xf32, #tpu.memory_space<vmem>> -> memref<1x80x128xf32, #tpu.memory_space<vmem>>
    %dma_wait3A_244 = tpu.memref_squeeze %dma_wait3A_243 : memref<1x80x128xf32, #tpu.memory_space<vmem>> -> memref<80x128xf32, #tpu.memory_space<vmem>>
    %dma_wait3A_245 = tpu.memref_slice %arg7[%add3A_239] : memref<10112xi32, #tpu.memory_space<vmem>> -> memref<80xi32, #tpu.memory_space<vmem>>
    %dma_wait3A_246 = arith.constant 0 : i32
    %dma_wait3A_247 = arith.constant 0 : i32
    %dma_wait3A_248 = tpu.memref_slice %arg9[%dma_wait3A_246, %dma_wait3A_247] : memref<10000x128xf32, #tpu.memory_space<vmem_shared>> -> memref<10000x128xf32, #tpu.memory_space<vmem_shared>>
    tpu.wait_indirect_dma semaphore(%arg14 : memref<!tpu.dma_semaphore, #tpu.memory_space<semaphore_mem>>) src(%dma_wait3A_244 : memref<80x128xf32, #tpu.memory_space<vmem>>) dst(%dma_wait3A_248 : memref<10000x128xf32, #tpu.memory_space<vmem_shared>>)
    %barrier3A_249 = arith.constant 0 : index
    tpu.barrier barrier_id(%barrier3A_249)
    %mul3A_250 = arith.constant 624 : i32
    %mul3A_251 = arith.muli %arg1, %mul3A_250 : i32
    %mul3A_252 = arith.constant 624 : i32
    %mul3A_253 = arith.muli %arg1, %mul3A_252 : i32
    "tpu.region"() ({
      %run_scoped3A_259 = tpu.sem_alloc : memref<!tpu.dma_semaphore, #tpu.memory_space<semaphore_mem>>
      %dma_start3A_260 = arith.constant 0 : i32
      %dma_start3A_261 = tpu.memref_slice %arg5[%arg0, %mul3A_253, %dma_start3A_260] : memref<2x10000x128xf32, #tpu.memory_space<hbm>> -> memref<1x624x128xf32, #tpu.memory_space<hbm>>
      %dma_start3A_262 = tpu.memref_squeeze %dma_start3A_261 : memref<1x624x128xf32, #tpu.memory_space<hbm>> -> memref<624x128xf32, #tpu.memory_space<hbm>>
      %dma_start3A_263 = arith.constant 0 : i32
      %dma_start3A_264 = tpu.memref_slice %arg9[%mul3A_251, %dma_start3A_263] : memref<10000x128xf32, #tpu.memory_space<vmem_shared>> -> memref<624x128xf32, #tpu.memory_space<vmem_shared>>
      tpu.enqueue_dma source(%dma_start3A_264 : memref<624x128xf32, #tpu.memory_space<vmem_shared>>) target(%dma_start3A_262 : memref<624x128xf32, #tpu.memory_space<hbm>>) target_semaphore(%run_scoped3A_259 : memref<!tpu.dma_semaphore, #tpu.memory_space<semaphore_mem>>)
      %dma_wait3A_265 = arith.constant 0 : i32
      %dma_wait3A_266 = tpu.memref_slice %arg5[%arg0, %mul3A_253, %dma_wait3A_265] : memref<2x10000x128xf32, #tpu.memory_space<hbm>> -> memref<1x624x128xf32, #tpu.memory_space<hbm>>
      %dma_wait3A_267 = tpu.memref_squeeze %dma_wait3A_266 : memref<1x624x128xf32, #tpu.memory_space<hbm>> -> memref<624x128xf32, #tpu.memory_space<hbm>>
      %dma_wait3A_268 = arith.constant 0 : i32
      %dma_wait3A_269 = tpu.memref_slice %arg9[%mul3A_251, %dma_wait3A_268] : memref<10000x128xf32, #tpu.memory_space<vmem_shared>> -> memref<624x128xf32, #tpu.memory_space<vmem_shared>>
      tpu.wait_dma2 semaphore(%run_scoped3A_259 : memref<!tpu.dma_semaphore, #tpu.memory_space<semaphore_mem>>) src(%dma_wait3A_269 : memref<624x128xf32, #tpu.memory_space<vmem_shared>>) dst(%dma_wait3A_267 : memref<624x128xf32, #tpu.memory_space<hbm>>)
      tpu.yield
    }) : () -> ()
    %eq3A_254 = arith.constant 0 : i32
    %eq3A_255 = arith.cmpi eq, %arg1, %eq3A_254 : i32
    %convert_element_type3A_256 = arith.extui %eq3A_255 : i1 to i32
    %cond3A_257 = arith.constant 0 : i32
    %cond3A_258 = arith.cmpi ne, %convert_element_type3A_256, %cond3A_257 : i32
    scf.if %cond3A_258 {
      "tpu.region"() ({
        %run_scoped3A_259 = tpu.sem_alloc : memref<!tpu.dma_semaphore, #tpu.memory_space<semaphore_mem>>
        %dma_start3A_260 = arith.constant 9984 : i32
        %dma_start3A_261 = arith.constant 0 : i32
        %dma_start3A_262 = tpu.memref_slice %arg5[%arg0, %dma_start3A_260, %dma_start3A_261] : memref<2x10000x128xf32, #tpu.memory_space<hbm>> -> memref<1x16x128xf32, #tpu.memory_space<hbm>>
        %dma_start3A_263 = tpu.memref_squeeze %dma_start3A_262 : memref<1x16x128xf32, #tpu.memory_space<hbm>> -> memref<16x128xf32, #tpu.memory_space<hbm>>
        %dma_start3A_264 = arith.constant 9984 : i32
        %dma_start3A_265 = arith.constant 0 : i32
        %dma_start3A_266 = tpu.memref_slice %arg9[%dma_start3A_264, %dma_start3A_265] : memref<10000x128xf32, #tpu.memory_space<vmem_shared>> -> memref<16x128xf32, #tpu.memory_space<vmem_shared>>
        tpu.enqueue_dma source(%dma_start3A_266 : memref<16x128xf32, #tpu.memory_space<vmem_shared>>) target(%dma_start3A_263 : memref<16x128xf32, #tpu.memory_space<hbm>>) target_semaphore(%run_scoped3A_259 : memref<!tpu.dma_semaphore, #tpu.memory_space<semaphore_mem>>)
        %dma_wait3A_267 = arith.constant 9984 : i32
        %dma_wait3A_268 = arith.constant 0 : i32
        %dma_wait3A_269 = tpu.memref_slice %arg5[%arg0, %dma_wait3A_267, %dma_wait3A_268] : memref<2x10000x128xf32, #tpu.memory_space<hbm>> -> memref<1x16x128xf32, #tpu.memory_space<hbm>>
        %dma_wait3A_270 = tpu.memref_squeeze %dma_wait3A_269 : memref<1x16x128xf32, #tpu.memory_space<hbm>> -> memref<16x128xf32, #tpu.memory_space<hbm>>
        %dma_wait3A_271 = arith.constant 9984 : i32
        %dma_wait3A_272 = arith.constant 0 : i32
        %dma_wait3A_273 = tpu.memref_slice %arg9[%dma_wait3A_271, %dma_wait3A_272] : memref<10000x128xf32, #tpu.memory_space<vmem_shared>> -> memref<16x128xf32, #tpu.memory_space<vmem_shared>>
        tpu.wait_dma2 semaphore(%run_scoped3A_259 : memref<!tpu.dma_semaphore, #tpu.memory_space<semaphore_mem>>) src(%dma_wait3A_273 : memref<16x128xf32, #tpu.memory_space<vmem_shared>>) dst(%dma_wait3A_270 : memref<16x128xf32, #tpu.memory_space<hbm>>)
        tpu.yield
      }) : () -> ()
    } else {
    }
    return
  }
}

</mosaic_0001>

<sc_bundles>
// kernel: _segment_sum_sc.3.cloned.1.call-start
scs
__scs_entry_jumppad:
0x0: {  	(pc) =	sbr.rel $0x88, $3  }
0x1: {  	(tag) =	ssettag $0x0;
	lr =	simm.s32 $0x1  }
0x2: {  	[smem:$0x3F9E] =	sst lr;
	_ =	strace $0xD0000000  }
0x3: {  	_ = 	snop  }
0x4: {  	_ = 	snop  }
0x5: {  	_ = 	snop  }
0x6: {  	_ = 	snop  }
0x7: {  	_ = 	snop  }
__scs_overlays_trampoline_lowered:
0x8: {  	[smem:$0x3FAD] =	sst s0  }
0x9: {  	[smem:$0x3FAE] =	sst s1  }
0xa: {  	[smem:$0x3FAF] =	sst s2  }
0xb: {  	[smem:$0x3FB0] =	sst s3  }
0xc: {  	[smem:$0x3FB1] =	sst s4  }
0xd: {  	[smem:$0x3FB2] =	sst s5  }
0xe: {  	[smem:$0x3FB3] =	sst s6  }
0xf: {  	[smem:$0x3FB4] =	sst s7  }
0x10: {  	[smem:$0x3FB5] =	sst s8  }
0x11: {  	[smem:$0x3FB6] =	sst s9;
	s0 =	simm.s32 @!p0 $0x0  }
0x12: {  	s1 =	sld [smem:$0x3F9C];
	s0 =	simm.s32 @p0 $0x1  }
0x13: {  	[smem:$0x3FB7] =	sst s0;
	s0 =	simm.s32 @!p1 $0x0  }
0x14: {  	s2 =	sld [smem:$0x3F9B];
	s0 =	simm.s32 @p1 $0x1  }
0x15: {  	[smem:$0x3FB8] =	sst s0;
	s0 =	simm.s32 @!p2 $0x0  }
0x16: {  	s3 =	sld [smem:$0x3FDB];
	s0 =	simm.s32 @p2 $0x1  }
0x17: {  	s4 =	simm.s32 $0x1BF5;
	[smem:$0x3FBA] =	sst s0  }
0x18: {  	s0 =	sld [smem:$0x3F9D];
	_ =	swait.ge [sflag:s4], $0x0  }
0x19: {  	s7 =	sld [smem:$0x3F9E]  }
0x1a: {  	s8 =	sadd.s32 $0xFFFFE003, lr  }
0x1b: {  	s9 =	sadd.s32 $0xFFFFFEF7, lr;
	s5 =	simm.s32 $0xFFFFFFFF;
	p2 =	slt.u32 s8, $0xFFFFF086  }
0x1c: {  	p1 =	slt.u32 s9, $0xF7A;
	s5 =	simm.s32 @!p2 $0x0  }
0x1d: {  	s5 =	simm.s32 @p1 $0x1;
	p0 =	seq.s32 s7, s2  }
0x1e: {  	s7 =	smul.u32 @!p0 $0xF7A, s2;
	p2 =	seq.s32 @!p0 s5, $0x0  }
0x1f: {  	s9 =	smul.u32 $0xF7A, s1;
	s8 =	simm.s32 @!p0 $0x1BF5;
	p2 =	por !p2, p0  }
0x20: {  	[sflag:s8] =	ssyncset.s32 @!p0 $0xFFFFF086;
	s6 =	sadd.s32 @!p0 s3, s7;
	s7 =	simm.s32 @!p0 $0x108  }
0x21: {  	s3 =	sadd.s32 s3, s9;
	s6 =	sadd.s32 @!p0 $0x88, s6;
	s7 =	simm.s32 @p2 $0x1082  }
0x22: {  	[simem:s7], [sflag:s8] =	dma.local @!p0 [hbm:s6], $0xF7A  }
0x23: {  	s9 =	sor.u32 $0xD0000000, s2;
	s6 =	simm.s32 $0x108;
	_ =	swait.ge @!p0 [sflag:s8], $0x0  }
0x24: {  	s3 =	sadd.s32 $0x88, s3;
	s6 =	simm.s32 @!p1 $0x1082;
	[sflag:s4] =	ssyncset.s32 $0xFFFFF086  }
0x25: {  	[simem:s6], [sflag:s4] =	dma.local [hbm:s3], $0xF7A  }
0x26: {  	[smem:$0x3F9E] =	sst s1;
	(tag) =	ssettag s2;
	_ =	strace s9  }
0x27: {  	s1 =	sld [smem:$0x3FAE]  }
0x28: {  	s2 =	sld [smem:$0x3FAF]  }
0x29: {  	s4 =	sld [smem:$0x3FB1]  }
0x2a: {  	p0 =	seq.s32 s5, $0x0;
	s5 =	sld [smem:$0x3FB2]  }
0x2b: {  	s6 =	sld [smem:$0x3FB3]  }
0x2c: {  	s7 =	sld [smem:$0x3FB4]  }
0x2d: {  	s3 =	simm.s32 $0x108;
	s8 =	sld [smem:$0x3FB5]  }
0x2e: {  	s3 =	simm.s32 @!p0 $0x1082;
	s9 =	sld [smem:$0x3FB6]  }
0x2f: {  	lr =	sadd.s32 s0, s3;
	s0 =	sld [smem:$0x3FAD]  }
0x30: {  	s3 =	sld [smem:$0x3FB0]  }
0x31: {  	[smem:$0x3FB9] =	sst s10  }
0x32: {  	s10 =	sld [smem:$0x3FB7];
	_ =	sdelay $0x3  }
0x33: {  	p0 =	seq.s32 s10, $0x1;
	s10 =	sld [smem:$0x3FB9];
	_ =	sdelay $0x3  }
0x34: {  	[smem:$0x3FB9] =	sst s10  }
0x35: {  	s10 =	sld [smem:$0x3FB8];
	_ =	sdelay $0x3  }
0x36: {  	p1 =	seq.s32 s10, $0x1;
	s10 =	sld [smem:$0x3FB9];
	_ =	sdelay $0x3  }
0x37: {  	[smem:$0x3FB9] =	sst s10  }
0x38: {  	s10 =	sld [smem:$0x3FBA]  }
0x39: {  	_ = 	snop;
	(pc) =	sbr.ind lr, $3  }
0x3a: {  	_ = 	snop  }
0x3b: {  	_ = 	snop  }
0x3c: {  	p2 =	seq.s32 s10, $0x1;
	s10 =	sld [smem:$0x3FB9]  }
0x3d: {  	_ =	shalt  }
0x3e: {  	_ =	shalt  }
0x3f: {  	_ =	shalt  }
0x40: {  	_ =	shalt  }
0x41: {  	_ =	shalt  }
0x42: {  	_ =	shalt  }
0x43: {  	_ =	shalt  }
0x44: {  	_ =	shalt  }
0x45: {  	_ =	shalt  }
0x46: {  	_ =	shalt  }
0x47: {  	_ =	shalt  }
0x48: {  	_ =	shalt  }
0x49: {  	_ =	shalt  }
0x4a: {  	_ =	shalt  }
0x4b: {  	_ =	shalt  }
0x4c: {  	_ =	shalt  }
0x4d: {  	_ =	shalt  }
0x4e: {  	_ =	shalt  }
0x4f: {  	_ =	shalt  }
0x50: {  	_ =	shalt  }
0x51: {  	_ =	shalt  }
0x52: {  	_ =	shalt  }
0x53: {  	_ =	shalt  }
0x54: {  	_ =	shalt  }
0x55: {  	_ =	shalt  }
0x56: {  	_ =	shalt  }
0x57: {  	_ =	shalt  }
0x58: {  	_ =	shalt  }
0x59: {  	_ =	shalt  }
0x5a: {  	_ =	shalt  }
0x5b: {  	_ =	shalt  }
0x5c: {  	_ =	shalt  }
0x5d: {  	_ =	shalt  }
0x5e: {  	_ =	shalt  }
0x5f: {  	_ =	shalt  }
0x60: {  	_ =	shalt  }
0x61: {  	_ =	shalt  }
0x62: {  	_ =	shalt  }
0x63: {  	_ =	shalt  }
0x64: {  	_ =	shalt  }
0x65: {  	_ =	shalt  }
0x66: {  	_ =	shalt  }
0x67: {  	_ =	shalt  }
0x68: {  	_ =	shalt  }
0x69: {  	_ =	shalt  }
0x6a: {  	_ =	shalt  }
0x6b: {  	_ =	shalt  }
0x6c: {  	_ =	shalt  }
0x6d: {  	_ =	shalt  }
0x6e: {  	_ =	shalt  }
0x6f: {  	_ =	shalt  }
0x70: {  	_ =	shalt  }
0x71: {  	_ =	shalt  }
0x72: {  	_ =	shalt  }
0x73: {  	_ =	shalt  }
0x74: {  	_ =	shalt  }
0x75: {  	_ =	shalt  }
0x76: {  	_ =	shalt  }
0x77: {  	_ =	shalt  }
0x78: {  	_ =	shalt  }
0x79: {  	_ =	shalt  }
0x7a: {  	_ =	shalt  }
0x7b: {  	_ =	shalt  }
0x7c: {  	_ =	shalt  }
0x7d: {  	_ =	shalt  }
0x7e: {  	_ =	shalt  }
0x7f: {  	_ =	shalt  }
0x80: {  	_ =	shalt  }
0x81: {  	_ =	shalt  }
0x82: {  	_ =	shalt  }
0x83: {  	_ =	shalt  }
0x84: {  	_ =	shalt  }
0x85: {  	_ =	shalt  }
0x86: {  	_ =	shalt  }
0x87: {  	_ =	shalt  }
.Lfunc_end0:
.L_simem_size_0:
called_computation_lowered:
.L_overlay_start_0:
0x88: {  	s2 =	sld [smem:$0x3FD9]  }
0x89: {  	s3 =	sld [smem:$0x3FFE];
	_ =	sdelay $0x1  }
0x8a: {  	s1 =	srdreg.scid  }
0x8b: {  	s0 =	sand.u32 $0x1, s1  }
0x8c: {  	s18 =	sshll.u32 s0, $0xA;
	s2 =	sadd.s32 s3, s2  }
0x8d: {  	s2 =	sadd.s32 s2, s18  }
0x8e: {  	[smem:$0x3FC5] =	sst s2  }
0x8f: {  	_ = 	snop  }
0x90: {  	s2 =	sld [smem:$0x3FC9]  }
0x91: {  	s19 =	sld [smem:$0x3FC8]  }
0x92: {  	s4 =	sld [smem:$0x3FC7]  }
0x93: {  	s5 =	sld [smem:$0x3FD0];
	(tm) =	ssettm $0x1  }
0x94: {  	s6 =	sld [smem:$0x3FFB];
	_ =	sdelay $0x3  }
0x95: {  	_ =	strace s6  }
0x96: {  	s6 =	sld [smem:$0x3FFC];
	_ =	sdelay $0x3  }
0x97: {  	_ =	strace s6  }
0x98: {  	s6 =	sld [smem:$0x3FFD];
	_ =	sdelay $0x3  }
0x99: {  	_ =	strace s6  }
0x9a: {  	_ =	strace $0x8FFFFFFF  }
0x9b: {  	s20 =	sld [smem:$0x3FDB];
	_ =	sdelay $0x1  }
0x9c: {  	s7 =	simm.s32 $_scs_section_size  }
0x9d: {  	s8 =	simm.s32 $_size__tile_overlayer_lowered;
	s9 =	simm.s32 $_tile_overlayer_lowered  }
0x9e: {  	s23 =	simm.s32 $0x1BFF;
	s22 =	sshll.u32 s9, $0x1;
	s6 =	sadd.s32 s7, s20  }
0x9f: {  	s10 =	simm.s32 $0x0;
	s21 =	sshll.u32 s8, $0x1;
	s8 =	sadd.s32 s22, s6  }
0xa0: {  	[timem:s10], [sflag:s23] =	dma.local [hbm:s8], s21  }
0xa1: {  	_ =	swait.ge [sflag:s23], s21  }
0xa2: {  	s7 =	ssub.s32 $0x0, s21;
	[sflag:s23] =	ssyncset.done $0x0  }
0xa3: {  	[sflag:s23] =	ssyncadd.s32 s7;
	_ =	sdelay $0x1  }
0xa4: {  	s24 =	simm.s32 $0x1B8B  }
0xa5: {  	_ =	swait.ge [sflag:s24], $0x1  }
0xa6: {  	[sflag:s24] =	ssyncset.done $0x0  }
0xa7: {  	s25 =	simm.s32 $0x1B8E;
	[sflag:s24] =	ssyncadd.s32 $0xFFFFFFFF  }
0xa8: {  	s26 =	simm.s32 $execute0_lowered;
	[smem:$0x3FD2] =	sst s25  }
0xa9: {  	s7 =	sshll.u32 s26, $0x1;
	_ =	strace $0x80000046;
	[dreg:$0x1] =	wrdreg $0xFFFFFFFF  }
0xaa: {  	s28 =	simm.s32 $_size_execute0_lowered;
	s6 =	sadd.s32 s6, s7;
	[dreg:$0x0] =	wrdreg $0x0  }
0xab: {  	s7 =	sshll.u32 s28, $0x1;
	[dreg:$0x2] =	wrdreg s6  }
0xac: {  	[dreg:$0x3] =	wrdreg s7  }
0xad: {  	[dreg:$0x4] =	wrdreg $0xC0  }
0xae: {  	_ =	task [dreg:s10], $0x5FFFF  }
0xaf: {  	[dreg:$0x1] =	wrdreg $0xFFFFFFFF  }
0xb0: {  	[dreg:$0x0] =	wrdreg $0x60  }
0xb1: {  	[dreg:$0x2] =	wrdreg s2  }
0xb2: {  	[dreg:$0x3] =	wrdreg s19  }
0xb3: {  	[dreg:$0x4] =	wrdreg s4  }
0xb4: {  	[dreg:$0x5] =	wrdreg s5  }
0xb5: {  	[dreg:$0x6] =	wrdreg $0xC7000  }
0xb6: {  	[dreg:$0x7] =	wrdreg $0x9  }
0xb7: {  	_ =	task.clear_ibuf [dreg:s10], $0x8FFFF;
	_ =	strace $0x90000046  }
0xb8: {  	s29 =	simm.s32 $0x9;
	_ =	strace $0x80000048  }
0xb9: {  	_ =	swait.ge [sflag:s29], $0x1  }
0xba: {  	[sflag:s29] =	ssyncadd.s32 $0xFFFFFFFF  }
0xbb: {  	_ =	strace $0x90000048  }
0xbc: {  	_ =	sfence  }
0xbd: {  	s30 =	sld [smem:$0x0];
	_ =	sdelay $0x2  }
0xbe: {  	s31 =	sshll.u32 s1, $0xD;
	s1 =	sshrl.u32 s1, $0x2  }
0xbf: {  	s3 =	sand.u32 $0x4000, s31;
	s1 =	sadd.s32 s1, s30  }
0xc0: {  	s0 =	sor.u32 s3, s0;
	s1 =	sshll.u32 s1, $0x11  }
0xc1: {  	s0 =	sor.u32 s1, s0  }
0xc2: {  	s0 =	sadd.s32 $0x8F2B, s0  }
0xc3: {  	[sflag:s0] =	ssyncadd.remote.s32 $0x1  }
0xc4: {  	_ =	sfence.sel $0xFFFF  }
0xc5: {  	[dreg:$0x0] =	wrdreg $0xFFFFFFFF;
	(pc) =	sbr.abs _section_cstart, $3  }
0xc6: {  	[dreg:$0x1] =	wrdreg $0xFFFFFFFF  }
0xc7: {  	_ =	task.clear_ibuf [dreg:s10], $0x2FFFF;
	_ =	strace $0x9FFFFFFF  }
0xc8: {  	(tm) =	ssettm $0x7FFFFFFF  }
0xc9: {  	_ =	shalt  }
tec
execute0_lowered:
.L_overlay_start_1:
0x0: {  	(tag) =	ssettag $0x1  }
0x1: {  	s0 =	rddreg [dreg:$0x0]  }
0x2: {  	s1 =	rddreg [dreg:$0x1]  }
0x3: {  	s2 =	rddreg [dreg:$0x3]  }
0x4: {  	s3 =	rddreg [dreg:$0x4];
	s4 =	srdreg.scid;
	s9 =	simm.s32 $0x0  }
0x5: {  	s6 =	stileid.u32;
	s28 =	simm.s32 $0x50;
	s29 =	simm.s32 $0x4F00  }
0x6: {  	s30 =	simm.s32 $0x7700;
	s31 =	simm.s32 $0x9F00;
	s4 =	sand.u32 $0x1, s4  }
0x7: {  	s8 =	smul.u32 $0x4E000, s6;
	[smem:$0x7FF] =	sst s9;
	s20 =	sshll.u32 s6, $0x6  }
0x8: {  	s21 =	sshll.u32 s6, $0x4;
	s25 =	smul.u32 $0x13800, s6;
	p0 =	sne.s32 s6, $0x0  }
0x9: {  	s5 =	sshll.u32 s4, $0x4;
	s7 =	ssub.s32 $0x2, s4;
	_ =	strace $0x80000047  }
0xa: {  	s4 =	smul.u32 $0x138800, s4;
	s5 =	sor.u32 s6, s5;
	s18 =	sshrl.u32 s7, $0x1  }
0xb: {  	s19 =	sshrl.u32 s8, $0x2;
	s9 =	ssub.s32 s7, s18;
	s7 =	sand.u32 $0x70, s21  }
0xc: {  	s5 =	smul.u32 $0x9C4, s5;
	s8 =	sadd.s32 s19, s3;
	s22 =	sadd.s32 $0x50, s7  }
0xd: {  	s23 =	sadd.s32 $0xA0, s7;
	s11 =	sor.u32 $0x2780, s7;
	s24 =	sadd.s32 $0x27D0, s7  }
0xe: {  	s12 =	sadd.s32 $0x2670, s7;
	s26 =	sadd.s32 $0x4DA0, s7;
	[dreg:$0x8] =	wrdreg s22  }
0xf: {  	s15 =	sadd.s32 $0x26C0, s7;
	s16 =	sadd.s32 $0x4DF0, s7;
	[dreg:$0x9] =	wrdreg s23  }
0x10: {  	s17 =	sadd.s32 $0x4E40, s7;
	s21 =	sshrl.u32 s8, $0x3;
	[dreg:$0xa] =	wrdreg s24  }
0x11: {  	s8 =	simm.s32 $0x5;
	s10 =	sand.u32 $0x1FFE0, s5;
	[dreg:$0xb] =	wrdreg s12  }
0x12: {  	s5 =	sor.u32 $0x1C07, s20;
	[dreg:$0xc] =	wrdreg s26;
	s20 =	smax.u32 s9, $0x1  }
0x13: {  	s22 =	simm.s32 $0x7;
	s24 =	simm.s32 $0x80;
	s26 =	simm.s32 $0x4  }
0x14: {  	s9 =	simm.s32 $0x6;
	s10 =	sadd.s32 s1, s10;
	s1 =	sadd.s32 $0x138000, s3  }
0x15: {  	[dreg:$0x6] =	wrdreg s10;
	s10 =	sadd.s32 $0x10, s10;
	s23 =	sshrl.u32 @!p0 s1, $0x3  }
0x16: {  	[dreg:$0x7] =	wrdreg s10;
	s10 =	sadd.s32 s25, s4;
	s4 =	sshrl.u32 s4, $0x3  }
0x17: {  	s1 =	simm.s32 $0x1;
	s10 =	sshrl.u32 s10, $0x3;
	s4 =	sadd.s32 s2, s4  }
0x18: {  	s25 =	simm.s32 $0x100;
	s18 =	sadd.s32 s2, s10;
	s19 =	sadd.s32 $0x27000, s4  }
0x19: {  	s4 =	simm.s32 $0x2;
	s2 =	simm.s32 $0x3;
	s10 =	simm.s32 $0x0  }
.LBB2_1:
0x1a: {  	s6 =	rddreg [dreg:$0x2]  }
0x1b: {  	[spmem:s21], [sflag:s5] =	dma.local [hbm:s6], $0x2700  }
0x1c: {  	_ =	swait.ge [sflag:s22], $0x2700  }
0x1d: {  	[sflag:s22] =	ssyncset.done $0x0  }
0x1e: {  	[sflag:s22] =	ssyncadd.s32 $0xFFFFD900  }
0x1f: {  	[spmem:s23], [sflag:s5] =	dma.local @!p0 [hbm:s6], $0x100  }
0x20: {  	s6 =	simm.s32 @!p0 $0x7  }
0x21: {  	_ =	swait.ge @!p0 [sflag:s6], $0x100  }
0x22: {  	[sflag:s6] =	ssyncset.done @!p0 $0x0  }
0x23: {  	s14 =	simm.s32 $0x0;
	s12 =	rddreg [dreg:$0x6];
	[sflag:s6] =	ssyncadd.s32 @!p0 $0xFFFFFF00  }
0x24: {  	[tilespmem:s14], [sflag:$0x7] =	stream.strided.gather [hbm4b:s12+s24], $0x2780, s25, s24, $0x38;
	[tilespmem:$0x1FF80] =	vst v63  }
0x25: {  	_ =	swait.ge [sflag:s22], $0x2780  }
0x26: {  	[sflag:s22] =	ssyncset.done $0x0  }
0x27: {  	s14 =	simm.s32 $0x2780;
	s13 =	rddreg [dreg:$0x7];
	[sflag:s22] =	ssyncadd.s32 $0xFFFFD880  }
0x28: {  	[tilespmem:s14], [sflag:$0x7] =	stream.strided.gather [hbm4b:s13+s24], $0x2780, s25, s24, $0x38;
	[tilespmem:$0x1FF80] =	vst v63  }
0x29: {  	_ =	swait.ge [sflag:s22], $0x2780  }
0x2a: {  	[sflag:s22] =	ssyncset.done $0x0  }
0x2b: {  	[sflag:s22] =	ssyncadd.s32 $0xFFFFD880  }
0x2c: {  	[bflag:$0x0] =	sbarrier.arrive $0xFFFF  }
0x2d: {  	[tilespmem:s29], [sflag:$0x1] =	stream.indirect.gather [hbm4b:s0+s28], $0x80, s7, s28, $0xb8;
	[tilespmem:$0x1FF80] =	vst v63  }
0x2e: {  	s13 =	rddreg [dreg:$0x8]  }
0x2f: {  	[tilespmem:s30], [sflag:$0x2] =	stream.indirect.gather [hbm4b:s0+s28], $0x80, s13, s28, $0xb8;
	[tilespmem:$0x1FF80] =	vst v63  }
0x30: {  	s14 =	rddreg [dreg:$0x9]  }
0x31: {  	[tilespmem:s31], [sflag:$0x3] =	stream.indirect.gather [hbm4b:s0+s28], $0x80, s14, s28, $0xb8;
	[tilespmem:$0x1FF80] =	vst v63  }
0x32: {  	_ =	swait.ge [sflag:s1], $0x2800  }
0x33: {  	[sflag:s1] =	ssyncset.done $0x0  }
0x34: {  	[sflag:s1] =	ssyncadd.s32 $0xFFFFD800  }
0x35: {  	[spmem:s3] =	stream.indirect.scatter.add.f32 [tilespmem:s29], [sflag:$0x4], $0x80, s11, s28, $0xb8;
	[tilespmem:$0x1FF80] =	vst v63  }
0x36: {  	_ =	swait.ge [sflag:s4], $0x2800  }
0x37: {  	[sflag:s4] =	ssyncset.done $0x0  }
0x38: {  	s12 =	rddreg [dreg:$0xa];
	[sflag:s4] =	ssyncadd.s32 $0xFFFFD800  }
0x39: {  	[spmem:s3] =	stream.indirect.scatter.add.f32 [tilespmem:s30], [sflag:$0x5], $0x80, s12, s28, $0xb8;
	[tilespmem:$0x1FF80] =	vst v63  }
0x3a: {  	_ =	swait.ge [sflag:s26], $0x2800  }
0x3b: {  	s6 =	sadd.s32 $0x0, s7;
	[sflag:s26] =	ssyncset.done $0x0  }
0x3c: {  	s13 =	sadd.s32 $0xF0, s6;
	[sflag:s26] =	ssyncadd.s32 $0xFFFFD800  }
0x3d: {  	[tilespmem:s29], [sflag:$0x1] =	stream.indirect.gather [hbm4b:s0+s28], $0x80, s13, s28, $0xb8;
	[tilespmem:$0x1FF80] =	vst v63  }
0x3e: {  	_ =	swait.ge [sflag:s2], $0x2800  }
0x3f: {  	s12 =	sadd.s32 $0x0, s11;
	[sflag:s2] =	ssyncset.done $0x0  }
0x40: {  	s13 =	sadd.s32 $0xA0, s12;
	[sflag:s2] =	ssyncadd.s32 $0xFFFFD800  }
0x41: {  	[spmem:s3] =	stream.indirect.scatter.add.f32 [tilespmem:s31], [sflag:$0x6], $0x80, s13, s28, $0xb8;
	[tilespmem:$0x1FF80] =	vst v63  }
0x42: {  	_ =	swait.ge [sflag:s8], $0x2800  }
0x43: {  	[sflag:s8] =	ssyncset.done $0x0  }
0x44: {  	s14 =	sadd.s32 $0x140, s6;
	[sflag:s8] =	ssyncadd.s32 $0xFFFFD800  }
0x45: {  	[tilespmem:s30], [sflag:$0x2] =	stream.indirect.gather [hbm4b:s0+s28], $0x80, s14, s28, $0xb8;
	[tilespmem:$0x1FF80] =	vst v63  }
0x46: {  	_ =	swait.ge [sflag:s1], $0x2800  }
0x47: {  	[sflag:s1] =	ssyncset.done $0x0  }
0x48: {  	s14 =	sadd.s32 $0xF0, s12;
	[sflag:s1] =	ssyncadd.s32 $0xFFFFD800  }
0x49: {  	[spmem:s3] =	stream.indirect.scatter.add.f32 [tilespmem:s29], [sflag:$0x4], $0x80, s14, s28, $0xb8;
	[tilespmem:$0x1FF80] =	vst v63  }
0x4a: {  	_ =	swait.ge [sflag:s9], $0x2800  }
0x4b: {  	[sflag:s9] =	ssyncset.done $0x0  }
0x4c: {  	s6 =	sadd.s32 $0x190, s6;
	[sflag:s9] =	ssyncadd.s32 $0xFFFFD800  }
0x4d: {  	[tilespmem:s31], [sflag:$0x3] =	stream.indirect.gather [hbm4b:s0+s28], $0x80, s6, s28, $0xb8;
	[tilespmem:$0x1FF80] =	vst v63  }
0x4e: {  	_ =	swait.ge [sflag:s4], $0x2800  }
0x4f: {  	[sflag:s4] =	ssyncset.done $0x0  }
0x50: {  	s12 =	sadd.s32 $0x140, s12;
	s6 =	simm.s32 $0x3C0;
	[sflag:s4] =	ssyncadd.s32 $0xFFFFD800  }
.LBB2_2:
0x51: {  	[spmem:s3] =	stream.indirect.scatter.add.f32 [tilespmem:s30], [sflag:$0x5], $0x80, s12, s28, $0xb8;
	[tilespmem:$0x1FF80] =	vst v63  }
0x52: {  	s12 =	sshra.s32 s6, $0x2;
	p1 =	sne.s32 s6, $0x9240;
	_ =	swait.ge [sflag:s26], $0x2800  }
0x53: {  	s13 =	sadd.s32 s12, s7;
	s12 =	sadd.s32 s12, s11;
	[sflag:s26] =	ssyncset.done $0x0  }
0x54: {  	s6 =	sadd.s32 $0x3C0, s6;
	s14 =	sadd.s32 $0xF0, s13;
	[sflag:s26] =	ssyncadd.s32 $0xFFFFD800  }
0x55: {  	[tilespmem:s29], [sflag:$0x1] =	stream.indirect.gather [hbm4b:s0+s28], $0x80, s14, s28, $0xb8;
	[tilespmem:$0x1FF80] =	vst v63  }
0x56: {  	_ =	swait.ge [sflag:s2], $0x2800  }
0x57: {  	[sflag:s2] =	ssyncset.done $0x0  }
0x58: {  	s14 =	sadd.s32 $0xA0, s12;
	[sflag:s2] =	ssyncadd.s32 $0xFFFFD800  }
0x59: {  	[spmem:s3] =	stream.indirect.scatter.add.f32 [tilespmem:s31], [sflag:$0x6], $0x80, s14, s28, $0xb8;
	[tilespmem:$0x1FF80] =	vst v63  }
0x5a: {  	_ =	swait.ge [sflag:s8], $0x2800  }
0x5b: {  	[sflag:s8] =	ssyncset.done $0x0  }
0x5c: {  	s14 =	sadd.s32 $0x140, s13;
	[sflag:s8] =	ssyncadd.s32 $0xFFFFD800  }
0x5d: {  	[tilespmem:s30], [sflag:$0x2] =	stream.indirect.gather [hbm4b:s0+s28], $0x80, s14, s28, $0xb8;
	[tilespmem:$0x1FF80] =	vst v63  }
0x5e: {  	_ =	swait.ge [sflag:s1], $0x2800  }
0x5f: {  	[sflag:s1] =	ssyncset.done $0x0  }
0x60: {  	s14 =	sadd.s32 $0xF0, s12;
	[sflag:s1] =	ssyncadd.s32 $0xFFFFD800  }
0x61: {  	[spmem:s3] =	stream.indirect.scatter.add.f32 [tilespmem:s29], [sflag:$0x4], $0x80, s14, s28, $0xb8;
	[tilespmem:$0x1FF80] =	vst v63  }
0x62: {  	_ =	swait.ge [sflag:s9], $0x2800  }
0x63: {  	[sflag:s9] =	ssyncset.done $0x0  }
.Ltmp0:
0x64: {  	s13 =	sadd.s32 $0x190, s13;
	[sflag:s9] =	ssyncadd.s32 $0xFFFFD800;
	(pc) =	sbr.rel @p1 .LBB2_2-.Ltmp0, $4  }
0x65: {  	[tilespmem:s31], [sflag:$0x3] =	stream.indirect.gather [hbm4b:s0+s28], $0x80, s13, s28, $0xb8;
	[tilespmem:$0x1FF80] =	vst v63  }
0x66: {  	_ =	swait.ge [sflag:s4], $0x2800  }
0x67: {  	[sflag:s4] =	ssyncset.done $0x0  }
0x68: {  	s12 =	sadd.s32 $0x140, s12;
	[sflag:s4] =	ssyncadd.s32 $0xFFFFD800  }
0x69: {  	[spmem:s3] =	stream.indirect.scatter.add.f32 [tilespmem:s30], [sflag:$0x5], $0x80, s12, s28, $0xb8;
	[tilespmem:$0x1FF80] =	vst v63  }
0x6a: {  	_ =	swait.ge [sflag:s26], $0x2800  }
0x6b: {  	[sflag:s26] =	ssyncset.done $0x0  }
0x6c: {  	s6 =	rddreg [dreg:$0xb];
	[sflag:s26] =	ssyncadd.s32 $0xFFFFD800  }
0x6d: {  	[tilespmem:s29], [sflag:$0x1] =	stream.indirect.gather [hbm4b:s0+s28], $0x80, s6, s28, $0xb8;
	[tilespmem:$0x1FF80] =	vst v63  }
0x6e: {  	_ =	swait.ge [sflag:s2], $0x2800  }
0x6f: {  	[sflag:s2] =	ssyncset.done $0x0  }
0x70: {  	s14 =	rddreg [dreg:$0xc];
	[sflag:s2] =	ssyncadd.s32 $0xFFFFD800  }
0x71: {  	[spmem:s3] =	stream.indirect.scatter.add.f32 [tilespmem:s31], [sflag:$0x6], $0x80, s14, s28, $0xb8;
	[tilespmem:$0x1FF80] =	vst v63  }
0x72: {  	_ =	swait.ge [sflag:s8], $0x2800  }
0x73: {  	[sflag:s8] =	ssyncset.done $0x0  }
0x74: {  	[sflag:s8] =	ssyncadd.s32 $0xFFFFD800  }
0x75: {  	[tilespmem:s30], [sflag:$0x2] =	stream.indirect.gather [hbm4b:s0+s28], $0x80, s15, s28, $0xb8;
	[tilespmem:$0x1FF80] =	vst v63  }
0x76: {  	_ =	swait.ge [sflag:s1], $0x2800  }
0x77: {  	[sflag:s1] =	ssyncset.done $0x0  }
0x78: {  	[sflag:s1] =	ssyncadd.s32 $0xFFFFD800  }
0x79: {  	[spmem:s3] =	stream.indirect.scatter.add.f32 [tilespmem:s29], [sflag:$0x4], $0x80, s16, s28, $0xb8;
	[tilespmem:$0x1FF80] =	vst v63  }
0x7a: {  	_ =	swait.ge [sflag:s9], $0x2800  }
0x7b: {  	[sflag:s9] =	ssyncset.done $0x0  }
0x7c: {  	[sflag:s9] =	ssyncadd.s32 $0xFFFFD800  }
0x7d: {  	_ =	swait.ge [sflag:s4], $0x2800  }
0x7e: {  	[sflag:s4] =	ssyncset.done $0x0  }
0x7f: {  	[sflag:s4] =	ssyncadd.s32 $0xFFFFD800  }
0x80: {  	[spmem:s3] =	stream.indirect.scatter.add.f32 [tilespmem:s30], [sflag:$0x5], $0x80, s17, s28, $0xb8;
	[tilespmem:$0x1FF80] =	vst v63  }
0x81: {  	_ =	swait.ge [sflag:s26], $0x2800  }
0x82: {  	[sflag:s26] =	ssyncset.done $0x0  }
0x83: {  	[sflag:s26] =	ssyncadd.s32 $0xFFFFD800  }
0x84: {  	_ =	swait.ge [sflag:s8], $0x2800  }
0x85: {  	[sflag:s8] =	ssyncset.done $0x0  }
0x86: {  	[sflag:s8] =	ssyncadd.s32 $0xFFFFD800  }
0x87: {  	[bflag:$0x0] =	sbarrier.arrive $0xFFFF  }
0x88: {  	[hbm:s18], [sflag:s5] =	dma.local [spmem:s21], $0x2700  }
0x89: {  	s10 =	sadd.s32 $0x1, s10;
	_ =	swait.ge [sflag:s22], $0x2700  }
0x8a: {  	p1 =	sne.s32 s10, s20;
	[sflag:s22] =	ssyncset.done $0x0  }
.Ltmp1:
0x8b: {  	s6 =	simm.s32 @!p0 $0x7;
	[sflag:s22] =	ssyncadd.s32 $0xFFFFD900;
	(pc) =	sbr.rel @p1 .LBB2_1-.Ltmp1, $4  }
0x8c: {  	[hbm:s19], [sflag:s5] =	dma.local @!p0 [spmem:s23], $0x100  }
0x8d: {  	_ =	swait.ge @!p0 [sflag:s6], $0x100  }
0x8e: {  	[sflag:s6] =	ssyncset.done @!p0 $0x0  }
0x8f: {  	[sflag:s6] =	ssyncadd.s32 @!p0 $0xFFFFFF00  }
0x90: {  	_ =	sfence.sel $0x180000  }
0x91: {  	[bflag:$0x0] =	sbarrier.arrive $0xFFFF  }
0x92: {  	_ =	strace $0x90000047  }
0x93: {  	[bflag:$0x2] =	sbarrier.arrive $0xFFFF  }
0x94: {  	s0 =	rddreg [dreg:$0x5]  }
0x95: {  	s0 =	sadd.s32 @!p0 $0x100000, s0  }
0x96: {  	[sflag:s0] =	ssyncadd.tile.s32 @!p0 $0x1;
	_ =	shalt  }
.Lfunc_end2:
_tile_overlayer_lowered:
.L_overlay_start_2:
0x97: {  	(tag) =	ssettag $0x2  }
0x98: {  	s0 =	rddreg [dreg:$0x0];
	s2 =	stileid.u32  }
0x99: {  	s1 =	rddreg [dreg:$0x1];
	p0 =	sne.s32 s2, $0x0  }
0x9a: {  	s3 =	rddreg [dreg:$0x2];
	[bflag:$0x3] =	sbarrier.arrive $0xFFFF;
	s2 =	simm.s32 @!p0 $0x1C07  }
0x9b: {  	[timem:s3], [sflag:s2] =	dma.local @!p0 [hbm:s0], s1  }
0x9c: {  	s0 =	simm.s32 @!p0 $0x7  }
0x9d: {  	_ =	swait.ge @!p0 [sflag:s0], s1  }
0x9e: {  	s1 =	ssub.s32 @!p0 $0x0, s1;
	[sflag:s0] =	ssyncset.done @!p0 $0x0  }
0x9f: {  	[sflag:s0] =	ssyncadd.s32 @!p0 s1  }
0xa0: {  	[bflag:$0x3] =	sbarrier.arrive $0xFFFF  }
0xa1: {  	_ =	shalt  }

</sc_bundles>
